<compile_context>
chip_gen: v7x
topology: tpu7x:2x2x1
jax: 0.10.2.dev20260603
libtpu: 0.0.44.dev20260713+nightly
codegen_flags: <defaults>
</compile_context>

<pallas_src>
import functools

import jax
import jax.numpy as jnp
from jax.experimental import pallas as pl
from jax.experimental.pallas import tpu as pltpu
from jax.experimental.pallas import tpu_sc as plsc

B = 16384
D = 128
H = 256
K = 100
KP = 128
BS = 4096

NW = 32
RPW = B // NW
INW = RPW * KP
ONW = RPW * K


def _tc_body(x_ref, w1_ref, b1_ref, w2_ref, b2_ref, o_ref, s_ref):
    h = jnp.maximum(
        jnp.dot(x_ref[...], w1_ref[...], preferred_element_type=jnp.float32)
        + b1_ref[...],
        0.0,
    )
    s_ref[:, K:] = jnp.full((BS, KP - K), -1e9, jnp.float32)
    s_ref[:, :K] = (
        jnp.dot(h, w2_ref[...], preferred_element_type=jnp.float32)
        + b2_ref[...]
    )
    s = s_ref[...]
    bits = jax.lax.bitcast_convert_type(s, jnp.int32)
    lane = jax.lax.broadcasted_iota(jnp.int32, s.shape, 1)
    packed = (bits & ~127) | (127 - lane)
    o_ref[...] = jax.lax.bitcast_convert_type(
        packed ^ jnp.int32(-(2**31)), jnp.float32
    )


_sc_mesh = plsc.VectorSubcoreMesh(core_axis_name="c", subcore_axis_name="s")


@functools.partial(
    pl.kernel,
    mesh=_sc_mesh,
    out_type=jax.ShapeDtypeStruct((B * K,), jnp.int32),
    scratch_types=[
        pltpu.VMEM((INW,), jnp.float32),
        pltpu.VMEM((ONW + 16,), jnp.int32),
        pltpu.VMEM((112,), jnp.int32),
    ],
    compiler_params=pltpu.CompilerParams(needs_layout_passes=False),
)
def _sc_sort(keys_hbm, ib_hbm, out_hbm, in_v, out_v, ib_v):
    wid = jax.lax.axis_index("s") * 2 + jax.lax.axis_index("c")
    pltpu.sync_copy(keys_hbm.at[pl.ds(wid * INW, INW)], in_v)
    pltpu.sync_copy(ib_hbm, ib_v)
    ib_vecs = [ib_v[pl.ds(16 * k, 16)] for k in range(7)]

    def merge(a, b):
        n = len(a)
        c = a + [jax.lax.rev(x, (0,)) for x in reversed(b)]
        s = n
        while s >= 1:
            for blk in range(0, 2 * n, 2 * s):
                for i in range(blk, blk + s):
                    lo = jnp.minimum(c[i], c[i + s])
                    hi = jnp.maximum(c[i], c[i + s])
                    c[i], c[i + s] = lo, hi
            s //= 2
        return [plsc.sort_key_val(x, x)[0] for x in c]

    def one_row(r):
        base = r * KP
        regs = [
            plsc.sort_key_val(in_v[pl.ds(base + 16 * k, 16)],
                              in_v[pl.ds(base + 16 * k, 16)])[0]
            for k in range(8)
        ]
        r01 = merge(regs[0:1], regs[1:2])
        r23 = merge(regs[2:3], regs[3:4])
        r45 = merge(regs[4:5], regs[5:6])
        r67 = merge(regs[6:7], regs[7:8])
        f = merge(merge(r01, r23), merge(r45, r67))
        ob = r * K
        for k in range(7):
            bits = jax.lax.bitcast_convert_type(f[k], jnp.int32)
            out_v[pl.ds(ob + 16 * k, 16)] = (127 - (bits & 127)) + ib_vecs[k]

    def row(r, carry):
        one_row(2 * r)
        one_row(2 * r + 1)
        return carry

    jax.lax.fori_loop(0, RPW // 2, row, 0)
    pltpu.sync_copy(out_v.at[pl.ds(0, ONW)], out_hbm.at[pl.ds(wid * ONW, ONW)])


@jax.jit
def _run(x, W1, b1, W2, b2, idx_base):
    keys = pl.pallas_call(
        _tc_body,
        grid=(B // BS,),
        in_specs=[
            pl.BlockSpec((BS, D), lambda i: (i, 0)),
            pl.BlockSpec((D, H), lambda i: (0, 0)),
            pl.BlockSpec((1, H), lambda i: (0, 0)),
            pl.BlockSpec((H, K), lambda i: (0, 0)),
            pl.BlockSpec((1, K), lambda i: (0, 0)),
        ],
        out_specs=pl.BlockSpec((BS, KP), lambda i: (i, 0)),
        out_shape=jax.ShapeDtypeStruct((B, KP), jnp.float32),
        scratch_shapes=[pltpu.VMEM((BS, KP), jnp.float32)],
    )(x, W1, b1.reshape(1, H), W2, b2.reshape(1, K))
    ib = jnp.zeros((112,), jnp.int32).at[:K].set(idx_base.astype(jnp.int32))
    out = _sc_sort(keys.reshape(B * KP), ib)
    return out.reshape(B, K)


def kernel(x, W1, b1, W2, b2, idx_base, training):
    return _run(x, W1, b1, W2, b2, idx_base)

# --- scband reference (transcript-rebuilt; emitter-appended) ---
"""Pipeline reference for scband-candidate-net-80272938762885 (READ-ONLY COPY).

The authoritative reference and input builder live on the scoring server;
editing this copy changes nothing except your own understanding.
"""

import jax, jax.numpy as jnp
import numpy as np

B = 16384
D = 128
H = 256
K = 100
NUM_CLASSES = 1000000


def setup_inputs(seed: int = 0) -> dict:
    key = jax.random.key(seed)
    k1, k2, k3 = jax.random.split(key, 3)
    x = jax.random.normal(k1, (B, D), dtype=jnp.float32)
    # Linear(d, 256) params (torch default init ~ U(-1/sqrt(d), 1/sqrt(d)))
    W1 = jax.random.uniform(k2, (D, H), dtype=jnp.float32, minval=-1.0, maxval=1.0) / np.sqrt(D)
    b1 = jnp.zeros((H,), dtype=jnp.float32)
    # Linear(256, K) params
    W2 = jax.random.uniform(k3, (H, K), dtype=jnp.float32, minval=-1.0, maxval=1.0) / np.sqrt(H)
    b2 = jnp.zeros((K,), dtype=jnp.float32)
    # registered buffer: idx_base = arange(K) * num_classes // K
    idx_base = (jnp.arange(K, dtype=jnp.int64 if jax.config.read('jax_enable_x64') else jnp.int32) * NUM_CLASSES) // K
    return {"x": x, "W1": W1, "b1": b1, "W2": W2, "b2": b2, "idx_base": idx_base, "training": False}


def reference(x, W1, b1, W2, b2, idx_base, training):
    # score = fc(x): Linear -> ReLU -> Linear
    h = jnp.maximum(jnp.dot(x, W1) + b1, 0.0)
    score = jnp.dot(h, W2) + b2
    # inference path (training=False): deterministic Top-K over the K logits
    _, idx = jax.lax.top_k(score, K)
    idx = idx + idx_base[None, :]
    return idx

if __name__ == "__main__":
    import jax
    _d = setup_inputs()
    print(jax.jit(kernel)(*tuple(_d.values())))

</pallas_src>

<mosaic_0001>
#map = affine_map<(d0, d1) -> (0)>
module attributes {stable_mosaic.version = 14 : i64} {
  func.func @_sc_sort(%arg0: i32, %arg1: i32, %arg2: memref<2097152xf32, #tpu.memory_space<hbm>>, %arg3: memref<112xi32, #tpu.memory_space<hbm>>, %arg4: memref<1638400xi32, #tpu.memory_space<hbm>>, %arg5: memref<65536xf32, #tpu.memory_space<vmem>>, %arg6: memref<51216xi32, #tpu.memory_space<vmem>>, %arg7: memref<112xi32, #tpu.memory_space<vmem>>) attributes {dimension_semantics = [#tpu.dimension_semantics<core_parallel>, #tpu.dimension_semantics<subcore_parallel>], iteration_bounds = array<i64: 2, 16>, scalar_prefetch = 0 : i64, scratch_operands = 3 : i64, tpu.core_type = #tpu.core_type<sc_vector_subcore>, window_params = [{transform_indices = #map}, {transform_indices = #map}, {transform_indices = #map}]} {
    %mul3A = arith.constant 2 : i32
    %mul3A_0 = arith.muli %arg1, %mul3A : i32
    %add3A = arith.addi %mul3A_0, %arg0 : i32
    %mul3A_1 = arith.constant 65536 : i32
    %mul3A_2 = arith.muli %add3A, %mul3A_1 : i32
    "tpu.region"() ({
      %run_scoped3A = tpu.sem_alloc : memref<!tpu.dma_semaphore, #tpu.memory_space<semaphore_mem>>
      %dma_start3A = tpu.memref_slice %arg2[%mul3A_2] : memref<2097152xf32, #tpu.memory_space<hbm>> -> memref<65536xf32, #tpu.memory_space<hbm>>
      %dma_start3A_23 = tpu.memref_slice %arg2[%mul3A_2] : memref<2097152xf32, #tpu.memory_space<hbm>> -> memref<65536xf32, #tpu.memory_space<hbm>>
      tpu.enqueue_dma source(%dma_start3A_23 : memref<65536xf32, #tpu.memory_space<hbm>>) target(%arg5 : memref<65536xf32, #tpu.memory_space<vmem>>) target_semaphore(%run_scoped3A : memref<!tpu.dma_semaphore, #tpu.memory_space<semaphore_mem>>)
      %dma_wait3A = tpu.memref_slice %arg2[%mul3A_2] : memref<2097152xf32, #tpu.memory_space<hbm>> -> memref<65536xf32, #tpu.memory_space<hbm>>
      %dma_wait3A_24 = tpu.memref_slice %arg2[%mul3A_2] : memref<2097152xf32, #tpu.memory_space<hbm>> -> memref<65536xf32, #tpu.memory_space<hbm>>
      tpu.wait_dma2 semaphore(%run_scoped3A : memref<!tpu.dma_semaphore, #tpu.memory_space<semaphore_mem>>) src(%dma_wait3A_24 : memref<65536xf32, #tpu.memory_space<hbm>>) dst(%arg5 : memref<65536xf32, #tpu.memory_space<vmem>>)
      tpu.yield
    }) : () -> ()
    "tpu.region"() ({
      %run_scoped3A = tpu.sem_alloc : memref<!tpu.dma_semaphore, #tpu.memory_space<semaphore_mem>>
      tpu.enqueue_dma source(%arg3 : memref<112xi32, #tpu.memory_space<hbm>>) target(%arg7 : memref<112xi32, #tpu.memory_space<vmem>>) target_semaphore(%run_scoped3A : memref<!tpu.dma_semaphore, #tpu.memory_space<semaphore_mem>>)
      tpu.wait_dma2 semaphore(%run_scoped3A : memref<!tpu.dma_semaphore, #tpu.memory_space<semaphore_mem>>) src(%arg3 : memref<112xi32, #tpu.memory_space<hbm>>) dst(%arg7 : memref<112xi32, #tpu.memory_space<vmem>>)
      tpu.yield
    }) : () -> ()
    %get3A = arith.constant 0 : index
    %get3A_3 = tpu.vector_load %arg7[%get3A] {strides = array<i32>} : memref<112xi32, #tpu.memory_space<vmem>>, vector<16xi32>,
    %get3A_4 = arith.constant 16 : index
    %get3A_5 = tpu.vector_load %arg7[%get3A_4] {strides = array<i32>} : memref<112xi32, #tpu.memory_space<vmem>>, vector<16xi32>,
    %get3A_6 = arith.constant 32 : index
    %get3A_7 = tpu.vector_load %arg7[%get3A_6] {strides = array<i32>} : memref<112xi32, #tpu.memory_space<vmem>>, vector<16xi32>,
    %get3A_8 = arith.constant 48 : index
    %get3A_9 = tpu.vector_load %arg7[%get3A_8] {strides = array<i32>} : memref<112xi32, #tpu.memory_space<vmem>>, vector<16xi32>,
    %get3A_10 = arith.constant 64 : index
    %get3A_11 = tpu.vector_load %arg7[%get3A_10] {strides = array<i32>} : memref<112xi32, #tpu.memory_space<vmem>>, vector<16xi32>,
    %get3A_12 = arith.constant 80 : index
    %get3A_13 = tpu.vector_load %arg7[%get3A_12] {strides = array<i32>} : memref<112xi32, #tpu.memory_space<vmem>>, vector<16xi32>,
    %get3A_14 = arith.constant 96 : index
    %get3A_15 = tpu.vector_load %arg7[%get3A_14] {strides = array<i32>} : memref<112xi32, #tpu.memory_space<vmem>>, vector<16xi32>,
    %scan3A = arith.constant 0 : i32
    %scan3A_16 = arith.constant 0 : i32
    %scan3A_17 = arith.constant 256 : i32
    %scan3A_18 = arith.addi %scan3A_16, %scan3A_17 : i32
    %scan3A_19 = arith.constant 1 : i32
    scf.for %scan3A_23 = %scan3A_16 to %scan3A_18 step %scan3A_19  : i32 {
      %mul3A_24 = arith.constant 2 : i32
      %mul3A_25 = arith.muli %mul3A_24, %scan3A_23 : i32
      %mul3A_26 = arith.constant 128 : i32
      %mul3A_27 = arith.muli %mul3A_25, %mul3A_26 : i32
      %add3A_28 = arith.constant 0 : i32
      %add3A_29 = arith.addi %mul3A_27, %add3A_28 : i32
      %get3A_30 = arith.index_cast %add3A_29 : i32 to index
      %get3A_31 = tpu.vector_load %arg5[%get3A_30] {strides = array<i32>} : memref<65536xf32, #tpu.memory_space<vmem>>, vector<16xf32>,
      %add3A_32 = arith.constant 0 : i32
      %add3A_33 = arith.addi %mul3A_27, %add3A_32 : i32
      %get3A_34 = arith.index_cast %add3A_33 : i32 to index
      %get3A_35 = tpu.vector_load %arg5[%get3A_34] {strides = array<i32>} : memref<65536xf32, #tpu.memory_space<vmem>>, vector<16xf32>,
      %masked_sort3A = arith.constant dense<true> : vector<16xi1>
      %masked_sort3A_36, %masked_sort3A_37, %masked_sort3A_38 = tpu.sort %get3A_31, %get3A_35 masked %masked_sort3A : (vector<16xf32>, vector<16xf32>, vector<16xi1>) -> (vector<16xi1>, vector<16xf32>, vector<16xf32>)
      %add3A_39 = arith.constant 16 : i32
      %add3A_40 = arith.addi %mul3A_27, %add3A_39 : i32
      %get3A_41 = arith.index_cast %add3A_40 : i32 to index
      %get3A_42 = tpu.vector_load %arg5[%get3A_41] {strides = array<i32>} : memref<65536xf32, #tpu.memory_space<vmem>>, vector<16xf32>,
      %add3A_43 = arith.constant 16 : i32
      %add3A_44 = arith.addi %mul3A_27, %add3A_43 : i32
      %get3A_45 = arith.index_cast %add3A_44 : i32 to index
      %get3A_46 = tpu.vector_load %arg5[%get3A_45] {strides = array<i32>} : memref<65536xf32, #tpu.memory_space<vmem>>, vector<16xf32>,
      %masked_sort3A_47 = arith.constant dense<true> : vector<16xi1>
      %masked_sort3A_48, %masked_sort3A_49, %masked_sort3A_50 = tpu.sort %get3A_42, %get3A_46 masked %masked_sort3A_47 : (vector<16xf32>, vector<16xf32>, vector<16xi1>) -> (vector<16xi1>, vector<16xf32>, vector<16xf32>)
      %add3A_51 = arith.constant 32 : i32
      %add3A_52 = arith.addi %mul3A_27, %add3A_51 : i32
      %get3A_53 = arith.index_cast %add3A_52 : i32 to index
      %get3A_54 = tpu.vector_load %arg5[%get3A_53] {strides = array<i32>} : memref<65536xf32, #tpu.memory_space<vmem>>, vector<16xf32>,
      %add3A_55 = arith.constant 32 : i32
      %add3A_56 = arith.addi %mul3A_27, %add3A_55 : i32
      %get3A_57 = arith.index_cast %add3A_56 : i32 to index
      %get3A_58 = tpu.vector_load %arg5[%get3A_57] {strides = array<i32>} : memref<65536xf32, #tpu.memory_space<vmem>>, vector<16xf32>,
      %masked_sort3A_59 = arith.constant dense<true> : vector<16xi1>
      %masked_sort3A_60, %masked_sort3A_61, %masked_sort3A_62 = tpu.sort %get3A_54, %get3A_58 masked %masked_sort3A_59 : (vector<16xf32>, vector<16xf32>, vector<16xi1>) -> (vector<16xi1>, vector<16xf32>, vector<16xf32>)
      %add3A_63 = arith.constant 48 : i32
      %add3A_64 = arith.addi %mul3A_27, %add3A_63 : i32
      %get3A_65 = arith.index_cast %add3A_64 : i32 to index
      %get3A_66 = tpu.vector_load %arg5[%get3A_65] {strides = array<i32>} : memref<65536xf32, #tpu.memory_space<vmem>>, vector<16xf32>,
      %add3A_67 = arith.constant 48 : i32
      %add3A_68 = arith.addi %mul3A_27, %add3A_67 : i32
      %get3A_69 = arith.index_cast %add3A_68 : i32 to index
      %get3A_70 = tpu.vector_load %arg5[%get3A_69] {strides = array<i32>} : memref<65536xf32, #tpu.memory_space<vmem>>, vector<16xf32>,
      %masked_sort3A_71 = arith.constant dense<true> : vector<16xi1>
      %masked_sort3A_72, %masked_sort3A_73, %masked_sort3A_74 = tpu.sort %get3A_66, %get3A_70 masked %masked_sort3A_71 : (vector<16xf32>, vector<16xf32>, vector<16xi1>) -> (vector<16xi1>, vector<16xf32>, vector<16xf32>)
      %add3A_75 = arith.constant 64 : i32
      %add3A_76 = arith.addi %mul3A_27, %add3A_75 : i32
      %get3A_77 = arith.index_cast %add3A_76 : i32 to index
      %get3A_78 = tpu.vector_load %arg5[%get3A_77] {strides = array<i32>} : memref<65536xf32, #tpu.memory_space<vmem>>, vector<16xf32>,
      %add3A_79 = arith.constant 64 : i32
      %add3A_80 = arith.addi %mul3A_27, %add3A_79 : i32
      %get3A_81 = arith.index_cast %add3A_80 : i32 to index
      %get3A_82 = tpu.vector_load %arg5[%get3A_81] {strides = array<i32>} : memref<65536xf32, #tpu.memory_space<vmem>>, vector<16xf32>,
      %masked_sort3A_83 = arith.constant dense<true> : vector<16xi1>
      %masked_sort3A_84, %masked_sort3A_85, %masked_sort3A_86 = tpu.sort %get3A_78, %get3A_82 masked %masked_sort3A_83 : (vector<16xf32>, vector<16xf32>, vector<16xi1>) -> (vector<16xi1>, vector<16xf32>, vector<16xf32>)
      %add3A_87 = arith.constant 80 : i32
      %add3A_88 = arith.addi %mul3A_27, %add3A_87 : i32
      %get3A_89 = arith.index_cast %add3A_88 : i32 to index
      %get3A_90 = tpu.vector_load %arg5[%get3A_89] {strides = array<i32>} : memref<65536xf32, #tpu.memory_space<vmem>>, vector<16xf32>,
      %add3A_91 = arith.constant 80 : i32
      %add3A_92 = arith.addi %mul3A_27, %add3A_91 : i32
      %get3A_93 = arith.index_cast %add3A_92 : i32 to index
      %get3A_94 = tpu.vector_load %arg5[%get3A_93] {strides = array<i32>} : memref<65536xf32, #tpu.memory_space<vmem>>, vector<16xf32>,
      %masked_sort3A_95 = arith.constant dense<true> : vector<16xi1>
      %masked_sort3A_96, %masked_sort3A_97, %masked_sort3A_98 = tpu.sort %get3A_90, %get3A_94 masked %masked_sort3A_95 : (vector<16xf32>, vector<16xf32>, vector<16xi1>) -> (vector<16xi1>, vector<16xf32>, vector<16xf32>)
      %add3A_99 = arith.constant 96 : i32
      %add3A_100 = arith.addi %mul3A_27, %add3A_99 : i32
      %get3A_101 = arith.index_cast %add3A_100 : i32 to index
      %get3A_102 = tpu.vector_load %arg5[%get3A_101] {strides = array<i32>} : memref<65536xf32, #tpu.memory_space<vmem>>, vector<16xf32>,
      %add3A_103 = arith.constant 96 : i32
      %add3A_104 = arith.addi %mul3A_27, %add3A_103 : i32
      %get3A_105 = arith.index_cast %add3A_104 : i32 to index
      %get3A_106 = tpu.vector_load %arg5[%get3A_105] {strides = array<i32>} : memref<65536xf32, #tpu.memory_space<vmem>>, vector<16xf32>,
      %masked_sort3A_107 = arith.constant dense<true> : vector<16xi1>
      %masked_sort3A_108, %masked_sort3A_109, %masked_sort3A_110 = tpu.sort %get3A_102, %get3A_106 masked %masked_sort3A_107 : (vector<16xf32>, vector<16xf32>, vector<16xi1>) -> (vector<16xi1>, vector<16xf32>, vector<16xf32>)
      %add3A_111 = arith.constant 112 : i32
      %add3A_112 = arith.addi %mul3A_27, %add3A_111 : i32
      %get3A_113 = arith.index_cast %add3A_112 : i32 to index
      %get3A_114 = tpu.vector_load %arg5[%get3A_113] {strides = array<i32>} : memref<65536xf32, #tpu.memory_space<vmem>>, vector<16xf32>,
      %add3A_115 = arith.constant 112 : i32
      %add3A_116 = arith.addi %mul3A_27, %add3A_115 : i32
      %get3A_117 = arith.index_cast %add3A_116 : i32 to index
      %get3A_118 = tpu.vector_load %arg5[%get3A_117] {strides = array<i32>} : memref<65536xf32, #tpu.memory_space<vmem>>, vector<16xf32>,
      %masked_sort3A_119 = arith.constant dense<true> : vector<16xi1>
      %masked_sort3A_120, %masked_sort3A_121, %masked_sort3A_122 = tpu.sort %get3A_114, %get3A_118 masked %masked_sort3A_119 : (vector<16xf32>, vector<16xf32>, vector<16xi1>) -> (vector<16xi1>, vector<16xf32>, vector<16xf32>)
      %rev3A = arith.constant 15 : i32
      %rev3A_123 = vector.broadcast %rev3A : i32 to vector<16xi32>
      %rev3A_124 = tpu.iota {dimensions = array<i32: 0>} : vector<16xi32>
      %rev3A_125 = arith.subi %rev3A_123, %rev3A_124 : vector<16xi32>
      %rev3A_126 = tpu.dynamic_gather %masked_sort3A_49[%rev3A_125] in [0] : vector<16xf32>, vector<16xi32> -> vector<16xf32>
      %min3A = arith.minimumf %masked_sort3A_37, %rev3A_126 : vector<16xf32>
      %max3A = arith.maximumf %masked_sort3A_37, %rev3A_126 : vector<16xf32>
      %masked_sort3A_127 = arith.constant dense<true> : vector<16xi1>
      %masked_sort3A_128, %masked_sort3A_129, %masked_sort3A_130 = tpu.sort %min3A, %min3A masked %masked_sort3A_127 : (vector<16xf32>, vector<16xf32>, vector<16xi1>) -> (vector<16xi1>, vector<16xf32>, vector<16xf32>)
      %masked_sort3A_131 = arith.constant dense<true> : vector<16xi1>
      %masked_sort3A_132, %masked_sort3A_133, %masked_sort3A_134 = tpu.sort %max3A, %max3A masked %masked_sort3A_131 : (vector<16xf32>, vector<16xf32>, vector<16xi1>) -> (vector<16xi1>, vector<16xf32>, vector<16xf32>)
      %rev3A_135 = arith.constant 15 : i32
      %rev3A_136 = vector.broadcast %rev3A_135 : i32 to vector<16xi32>
      %rev3A_137 = tpu.iota {dimensions = array<i32: 0>} : vector<16xi32>
      %rev3A_138 = arith.subi %rev3A_136, %rev3A_137 : vector<16xi32>
      %rev3A_139 = tpu.dynamic_gather %masked_sort3A_73[%rev3A_138] in [0] : vector<16xf32>, vector<16xi32> -> vector<16xf32>
      %min3A_140 = arith.minimumf %masked_sort3A_61, %rev3A_139 : vector<16xf32>
      %max3A_141 = arith.maximumf %masked_sort3A_61, %rev3A_139 : vector<16xf32>
      %masked_sort3A_142 = arith.constant dense<true> : vector<16xi1>
      %masked_sort3A_143, %masked_sort3A_144, %masked_sort3A_145 = tpu.sort %min3A_140, %min3A_140 masked %masked_sort3A_142 : (vector<16xf32>, vector<16xf32>, vector<16xi1>) -> (vector<16xi1>, vector<16xf32>, vector<16xf32>)
      %masked_sort3A_146 = arith.constant dense<true> : vector<16xi1>
      %masked_sort3A_147, %masked_sort3A_148, %masked_sort3A_149 = tpu.sort %max3A_141, %max3A_141 masked %masked_sort3A_146 : (vector<16xf32>, vector<16xf32>, vector<16xi1>) -> (vector<16xi1>, vector<16xf32>, vector<16xf32>)
      %rev3A_150 = arith.constant 15 : i32
      %rev3A_151 = vector.broadcast %rev3A_150 : i32 to vector<16xi32>
      %rev3A_152 = tpu.iota {dimensions = array<i32: 0>} : vector<16xi32>
      %rev3A_153 = arith.subi %rev3A_151, %rev3A_152 : vector<16xi32>
      %rev3A_154 = tpu.dynamic_gather %masked_sort3A_97[%rev3A_153] in [0] : vector<16xf32>, vector<16xi32> -> vector<16xf32>
      %min3A_155 = arith.minimumf %masked_sort3A_85, %rev3A_154 : vector<16xf32>
      %max3A_156 = arith.maximumf %masked_sort3A_85, %rev3A_154 : vector<16xf32>
      %masked_sort3A_157 = arith.constant dense<true> : vector<16xi1>
      %masked_sort3A_158, %masked_sort3A_159, %masked_sort3A_160 = tpu.sort %min3A_155, %min3A_155 masked %masked_sort3A_157 : (vector<16xf32>, vector<16xf32>, vector<16xi1>) -> (vector<16xi1>, vector<16xf32>, vector<16xf32>)
      %masked_sort3A_161 = arith.constant dense<true> : vector<16xi1>
      %masked_sort3A_162, %masked_sort3A_163, %masked_sort3A_164 = tpu.sort %max3A_156, %max3A_156 masked %masked_sort3A_161 : (vector<16xf32>, vector<16xf32>, vector<16xi1>) -> (vector<16xi1>, vector<16xf32>, vector<16xf32>)
      %rev3A_165 = arith.constant 15 : i32
      %rev3A_166 = vector.broadcast %rev3A_165 : i32 to vector<16xi32>
      %rev3A_167 = tpu.iota {dimensions = array<i32: 0>} : vector<16xi32>
      %rev3A_168 = arith.subi %rev3A_166, %rev3A_167 : vector<16xi32>
      %rev3A_169 = tpu.dynamic_gather %masked_sort3A_121[%rev3A_168] in [0] : vector<16xf32>, vector<16xi32> -> vector<16xf32>
      %min3A_170 = arith.minimumf %masked_sort3A_109, %rev3A_169 : vector<16xf32>
      %max3A_171 = arith.maximumf %masked_sort3A_109, %rev3A_169 : vector<16xf32>
      %masked_sort3A_172 = arith.constant dense<true> : vector<16xi1>
      %masked_sort3A_173, %masked_sort3A_174, %masked_sort3A_175 = tpu.sort %min3A_170, %min3A_170 masked %masked_sort3A_172 : (vector<16xf32>, vector<16xf32>, vector<16xi1>) -> (vector<16xi1>, vector<16xf32>, vector<16xf32>)
      %masked_sort3A_176 = arith.constant dense<true> : vector<16xi1>
      %masked_sort3A_177, %masked_sort3A_178, %masked_sort3A_179 = tpu.sort %max3A_171, %max3A_171 masked %masked_sort3A_176 : (vector<16xf32>, vector<16xf32>, vector<16xi1>) -> (vector<16xi1>, vector<16xf32>, vector<16xf32>)
      %rev3A_180 = arith.constant 15 : i32
      %rev3A_181 = vector.broadcast %rev3A_180 : i32 to vector<16xi32>
      %rev3A_182 = tpu.iota {dimensions = array<i32: 0>} : vector<16xi32>
      %rev3A_183 = arith.subi %rev3A_181, %rev3A_182 : vector<16xi32>
      %rev3A_184 = tpu.dynamic_gather %masked_sort3A_148[%rev3A_183] in [0] : vector<16xf32>, vector<16xi32> -> vector<16xf32>
      %rev3A_185 = arith.constant 15 : i32
      %rev3A_186 = vector.broadcast %rev3A_185 : i32 to vector<16xi32>
      %rev3A_187 = tpu.iota {dimensions = array<i32: 0>} : vector<16xi32>
      %rev3A_188 = arith.subi %rev3A_186, %rev3A_187 : vector<16xi32>
      %rev3A_189 = tpu.dynamic_gather %masked_sort3A_144[%rev3A_188] in [0] : vector<16xf32>, vector<16xi32> -> vector<16xf32>
      %min3A_190 = arith.minimumf %masked_sort3A_129, %rev3A_184 : vector<16xf32>
      %max3A_191 = arith.maximumf %masked_sort3A_129, %rev3A_184 : vector<16xf32>
      %min3A_192 = arith.minimumf %masked_sort3A_133, %rev3A_189 : vector<16xf32>
      %max3A_193 = arith.maximumf %masked_sort3A_133, %rev3A_189 : vector<16xf32>
      %min3A_194 = arith.minimumf %min3A_190, %min3A_192 : vector<16xf32>
      %max3A_195 = arith.maximumf %min3A_190, %min3A_192 : vector<16xf32>
      %min3A_196 = arith.minimumf %max3A_191, %max3A_193 : vector<16xf32>
      %max3A_197 = arith.maximumf %max3A_191, %max3A_193 : vector<16xf32>
      %masked_sort3A_198 = arith.constant dense<true> : vector<16xi1>
      %masked_sort3A_199, %masked_sort3A_200, %masked_sort3A_201 = tpu.sort %min3A_194, %min3A_194 masked %masked_sort3A_198 : (vector<16xf32>, vector<16xf32>, vector<16xi1>) -> (vector<16xi1>, vector<16xf32>, vector<16xf32>)
      %masked_sort3A_202 = arith.constant dense<true> : vector<16xi1>
      %masked_sort3A_203, %masked_sort3A_204, %masked_sort3A_205 = tpu.sort %max3A_195, %max3A_195 masked %masked_sort3A_202 : (vector<16xf32>, vector<16xf32>, vector<16xi1>) -> (vector<16xi1>, vector<16xf32>, vector<16xf32>)
      %masked_sort3A_206 = arith.constant dense<true> : vector<16xi1>
      %masked_sort3A_207, %masked_sort3A_208, %masked_sort3A_209 = tpu.sort %min3A_196, %min3A_196 masked %masked_sort3A_206 : (vector<16xf32>, vector<16xf32>, vector<16xi1>) -> (vector<16xi1>, vector<16xf32>, vector<16xf32>)
      %masked_sort3A_210 = arith.constant dense<true> : vector<16xi1>
      %masked_sort3A_211, %masked_sort3A_212, %masked_sort3A_213 = tpu.sort %max3A_197, %max3A_197 masked %masked_sort3A_210 : (vector<16xf32>, vector<16xf32>, vector<16xi1>) -> (vector<16xi1>, vector<16xf32>, vector<16xf32>)
      %rev3A_214 = arith.constant 15 : i32
      %rev3A_215 = vector.broadcast %rev3A_214 : i32 to vector<16xi32>
      %rev3A_216 = tpu.iota {dimensions = array<i32: 0>} : vector<16xi32>
      %rev3A_217 = arith.subi %rev3A_215, %rev3A_216 : vector<16xi32>
      %rev3A_218 = tpu.dynamic_gather %masked_sort3A_178[%rev3A_217] in [0] : vector<16xf32>, vector<16xi32> -> vector<16xf32>
      %rev3A_219 = arith.constant 15 : i32
      %rev3A_220 = vector.broadcast %rev3A_219 : i32 to vector<16xi32>
      %rev3A_221 = tpu.iota {dimensions = array<i32: 0>} : vector<16xi32>
      %rev3A_222 = arith.subi %rev3A_220, %rev3A_221 : vector<16xi32>
      %rev3A_223 = tpu.dynamic_gather %masked_sort3A_174[%rev3A_222] in [0] : vector<16xf32>, vector<16xi32> -> vector<16xf32>
      %min3A_224 = arith.minimumf %masked_sort3A_159, %rev3A_218 : vector<16xf32>
      %max3A_225 = arith.maximumf %masked_sort3A_159, %rev3A_218 : vector<16xf32>
      %min3A_226 = arith.minimumf %masked_sort3A_163, %rev3A_223 : vector<16xf32>
      %max3A_227 = arith.maximumf %masked_sort3A_163, %rev3A_223 : vector<16xf32>
      %min3A_228 = arith.minimumf %min3A_224, %min3A_226 : vector<16xf32>
      %max3A_229 = arith.maximumf %min3A_224, %min3A_226 : vector<16xf32>
      %min3A_230 = arith.minimumf %max3A_225, %max3A_227 : vector<16xf32>
      %max3A_231 = arith.maximumf %max3A_225, %max3A_227 : vector<16xf32>
      %masked_sort3A_232 = arith.constant dense<true> : vector<16xi1>
      %masked_sort3A_233, %masked_sort3A_234, %masked_sort3A_235 = tpu.sort %min3A_228, %min3A_228 masked %masked_sort3A_232 : (vector<16xf32>, vector<16xf32>, vector<16xi1>) -> (vector<16xi1>, vector<16xf32>, vector<16xf32>)
      %masked_sort3A_236 = arith.constant dense<true> : vector<16xi1>
      %masked_sort3A_237, %masked_sort3A_238, %masked_sort3A_239 = tpu.sort %max3A_229, %max3A_229 masked %masked_sort3A_236 : (vector<16xf32>, vector<16xf32>, vector<16xi1>) -> (vector<16xi1>, vector<16xf32>, vector<16xf32>)
      %masked_sort3A_240 = arith.constant dense<true> : vector<16xi1>
      %masked_sort3A_241, %masked_sort3A_242, %masked_sort3A_243 = tpu.sort %min3A_230, %min3A_230 masked %masked_sort3A_240 : (vector<16xf32>, vector<16xf32>, vector<16xi1>) -> (vector<16xi1>, vector<16xf32>, vector<16xf32>)
      %masked_sort3A_244 = arith.constant dense<true> : vector<16xi1>
      %masked_sort3A_245, %masked_sort3A_246, %masked_sort3A_247 = tpu.sort %max3A_231, %max3A_231 masked %masked_sort3A_244 : (vector<16xf32>, vector<16xf32>, vector<16xi1>) -> (vector<16xi1>, vector<16xf32>, vector<16xf32>)
      %rev3A_248 = arith.constant 15 : i32
      %rev3A_249 = vector.broadcast %rev3A_248 : i32 to vector<16xi32>
      %rev3A_250 = tpu.iota {dimensions = array<i32: 0>} : vector<16xi32>
      %rev3A_251 = arith.subi %rev3A_249, %rev3A_250 : vector<16xi32>
      %rev3A_252 = tpu.dynamic_gather %masked_sort3A_246[%rev3A_251] in [0] : vector<16xf32>, vector<16xi32> -> vector<16xf32>
      %rev3A_253 = arith.constant 15 : i32
      %rev3A_254 = vector.broadcast %rev3A_253 : i32 to vector<16xi32>
      %rev3A_255 = tpu.iota {dimensions = array<i32: 0>} : vector<16xi32>
      %rev3A_256 = arith.subi %rev3A_254, %rev3A_255 : vector<16xi32>
      %rev3A_257 = tpu.dynamic_gather %masked_sort3A_242[%rev3A_256] in [0] : vector<16xf32>, vector<16xi32> -> vector<16xf32>
      %rev3A_258 = arith.constant 15 : i32
      %rev3A_259 = vector.broadcast %rev3A_258 : i32 to vector<16xi32>
      %rev3A_260 = tpu.iota {dimensions = array<i32: 0>} : vector<16xi32>
      %rev3A_261 = arith.subi %rev3A_259, %rev3A_260 : vector<16xi32>
      %rev3A_262 = tpu.dynamic_gather %masked_sort3A_238[%rev3A_261] in [0] : vector<16xf32>, vector<16xi32> -> vector<16xf32>
      %rev3A_263 = arith.constant 15 : i32
      %rev3A_264 = vector.broadcast %rev3A_263 : i32 to vector<16xi32>
      %rev3A_265 = tpu.iota {dimensions = array<i32: 0>} : vector<16xi32>
      %rev3A_266 = arith.subi %rev3A_264, %rev3A_265 : vector<16xi32>
      %rev3A_267 = tpu.dynamic_gather %masked_sort3A_234[%rev3A_266] in [0] : vector<16xf32>, vector<16xi32> -> vector<16xf32>
      %min3A_268 = arith.minimumf %masked_sort3A_200, %rev3A_252 : vector<16xf32>
      %max3A_269 = arith.maximumf %masked_sort3A_200, %rev3A_252 : vector<16xf32>
      %min3A_270 = arith.minimumf %masked_sort3A_204, %rev3A_257 : vector<16xf32>
      %max3A_271 = arith.maximumf %masked_sort3A_204, %rev3A_257 : vector<16xf32>
      %min3A_272 = arith.minimumf %masked_sort3A_208, %rev3A_262 : vector<16xf32>
      %max3A_273 = arith.maximumf %masked_sort3A_208, %rev3A_262 : vector<16xf32>
      %min3A_274 = arith.minimumf %masked_sort3A_212, %rev3A_267 : vector<16xf32>
      %max3A_275 = arith.maximumf %masked_sort3A_212, %rev3A_267 : vector<16xf32>
      %min3A_276 = arith.minimumf %min3A_268, %min3A_272 : vector<16xf32>
      %max3A_277 = arith.maximumf %min3A_268, %min3A_272 : vector<16xf32>
      %min3A_278 = arith.minimumf %min3A_270, %min3A_274 : vector<16xf32>
      %max3A_279 = arith.maximumf %min3A_270, %min3A_274 : vector<16xf32>
      %min3A_280 = arith.minimumf %max3A_269, %max3A_273 : vector<16xf32>
      %max3A_281 = arith.maximumf %max3A_269, %max3A_273 : vector<16xf32>
      %min3A_282 = arith.minimumf %max3A_271, %max3A_275 : vector<16xf32>
      %max3A_283 = arith.maximumf %max3A_271, %max3A_275 : vector<16xf32>
      %min3A_284 = arith.minimumf %min3A_276, %min3A_278 : vector<16xf32>
      %max3A_285 = arith.maximumf %min3A_276, %min3A_278 : vector<16xf32>
      %min3A_286 = arith.minimumf %max3A_277, %max3A_279 : vector<16xf32>
      %max3A_287 = arith.maximumf %max3A_277, %max3A_279 : vector<16xf32>
      %min3A_288 = arith.minimumf %min3A_280, %min3A_282 : vector<16xf32>
      %max3A_289 = arith.maximumf %min3A_280, %min3A_282 : vector<16xf32>
      %min3A_290 = arith.minimumf %max3A_281, %max3A_283 : vector<16xf32>
      %max3A_291 = arith.maximumf %max3A_281, %max3A_283 : vector<16xf32>
      %masked_sort3A_292 = arith.constant dense<true> : vector<16xi1>
      %masked_sort3A_293, %masked_sort3A_294, %masked_sort3A_295 = tpu.sort %min3A_284, %min3A_284 masked %masked_sort3A_292 : (vector<16xf32>, vector<16xf32>, vector<16xi1>) -> (vector<16xi1>, vector<16xf32>, vector<16xf32>)
      %masked_sort3A_296 = arith.constant dense<true> : vector<16xi1>
      %masked_sort3A_297, %masked_sort3A_298, %masked_sort3A_299 = tpu.sort %max3A_285, %max3A_285 masked %masked_sort3A_296 : (vector<16xf32>, vector<16xf32>, vector<16xi1>) -> (vector<16xi1>, vector<16xf32>, vector<16xf32>)
      %masked_sort3A_300 = arith.constant dense<true> : vector<16xi1>
      %masked_sort3A_301, %masked_sort3A_302, %masked_sort3A_303 = tpu.sort %min3A_286, %min3A_286 masked %masked_sort3A_300 : (vector<16xf32>, vector<16xf32>, vector<16xi1>) -> (vector<16xi1>, vector<16xf32>, vector<16xf32>)
      %masked_sort3A_304 = arith.constant dense<true> : vector<16xi1>
      %masked_sort3A_305, %masked_sort3A_306, %masked_sort3A_307 = tpu.sort %max3A_287, %max3A_287 masked %masked_sort3A_304 : (vector<16xf32>, vector<16xf32>, vector<16xi1>) -> (vector<16xi1>, vector<16xf32>, vector<16xf32>)
      %masked_sort3A_308 = arith.constant dense<true> : vector<16xi1>
      %masked_sort3A_309, %masked_sort3A_310, %masked_sort3A_311 = tpu.sort %min3A_288, %min3A_288 masked %masked_sort3A_308 : (vector<16xf32>, vector<16xf32>, vector<16xi1>) -> (vector<16xi1>, vector<16xf32>, vector<16xf32>)
      %masked_sort3A_312 = arith.constant dense<true> : vector<16xi1>
      %masked_sort3A_313, %masked_sort3A_314, %masked_sort3A_315 = tpu.sort %max3A_289, %max3A_289 masked %masked_sort3A_312 : (vector<16xf32>, vector<16xf32>, vector<16xi1>) -> (vector<16xi1>, vector<16xf32>, vector<16xf32>)
      %masked_sort3A_316 = arith.constant dense<true> : vector<16xi1>
      %masked_sort3A_317, %masked_sort3A_318, %masked_sort3A_319 = tpu.sort %min3A_290, %min3A_290 masked %masked_sort3A_316 : (vector<16xf32>, vector<16xf32>, vector<16xi1>) -> (vector<16xi1>, vector<16xf32>, vector<16xf32>)
      %masked_sort3A_320 = arith.constant dense<true> : vector<16xi1>
      %masked_sort3A_321, %masked_sort3A_322, %masked_sort3A_323 = tpu.sort %max3A_291, %max3A_291 masked %masked_sort3A_320 : (vector<16xf32>, vector<16xf32>, vector<16xi1>) -> (vector<16xi1>, vector<16xf32>, vector<16xf32>)
      %mul3A_324 = arith.constant 100 : i32
      %mul3A_325 = arith.muli %mul3A_25, %mul3A_324 : i32
      %bitcast_convert_type3A = tpu.bitcast %masked_sort3A_294 : vector<16xf32> -> vector<16xi32>
      %and3A = arith.constant 127 : i32
      %and3A_326 = vector.broadcast %and3A : i32 to vector<16xi32>
      %and3A_327 = arith.andi %bitcast_convert_type3A, %and3A_326 : vector<16xi32>
      %sub3A = arith.constant 127 : i32
      %sub3A_328 = vector.broadcast %sub3A : i32 to vector<16xi32>
      %sub3A_329 = arith.subi %sub3A_328, %and3A_327 : vector<16xi32>
      %add3A_330 = arith.addi %sub3A_329, %get3A_3 : vector<16xi32>
      %add3A_331 = arith.constant 0 : i32
      %add3A_332 = arith.addi %mul3A_325, %add3A_331 : i32
      %swap3A = arith.index_cast %add3A_332 : i32 to index
      %swap3A_333 = tpu.vector_load %arg6[%swap3A] {strides = array<i32>} : memref<51216xi32, #tpu.memory_space<vmem>>, vector<16xi32>,
      tpu.vector_store %arg6[%swap3A], %add3A_330 {strides = array<i32>} : memref<51216xi32, #tpu.memory_space<vmem>>, vector<16xi32>,
      %bitcast_convert_type3A_334 = tpu.bitcast %masked_sort3A_298 : vector<16xf32> -> vector<16xi32>
      %and3A_335 = arith.constant 127 : i32
      %and3A_336 = vector.broadcast %and3A_335 : i32 to vector<16xi32>
      %and3A_337 = arith.andi %bitcast_convert_type3A_334, %and3A_336 : vector<16xi32>
      %sub3A_338 = arith.constant 127 : i32
      %sub3A_339 = vector.broadcast %sub3A_338 : i32 to vector<16xi32>
      %sub3A_340 = arith.subi %sub3A_339, %and3A_337 : vector<16xi32>
      %add3A_341 = arith.addi %sub3A_340, %get3A_5 : vector<16xi32>
      %add3A_342 = arith.constant 16 : i32
      %add3A_343 = arith.addi %mul3A_325, %add3A_342 : i32
      %swap3A_344 = arith.index_cast %add3A_343 : i32 to index
      %swap3A_345 = tpu.vector_load %arg6[%swap3A_344] {strides = array<i32>} : memref<51216xi32, #tpu.memory_space<vmem>>, vector<16xi32>,
      tpu.vector_store %arg6[%swap3A_344], %add3A_341 {strides = array<i32>} : memref<51216xi32, #tpu.memory_space<vmem>>, vector<16xi32>,
      %bitcast_convert_type3A_346 = tpu.bitcast %masked_sort3A_302 : vector<16xf32> -> vector<16xi32>
      %and3A_347 = arith.constant 127 : i32
      %and3A_348 = vector.broadcast %and3A_347 : i32 to vector<16xi32>
      %and3A_349 = arith.andi %bitcast_convert_type3A_346, %and3A_348 : vector<16xi32>
      %sub3A_350 = arith.constant 127 : i32
      %sub3A_351 = vector.broadcast %sub3A_350 : i32 to vector<16xi32>
      %sub3A_352 = arith.subi %sub3A_351, %and3A_349 : vector<16xi32>
      %add3A_353 = arith.addi %sub3A_352, %get3A_7 : vector<16xi32>
      %add3A_354 = arith.constant 32 : i32
      %add3A_355 = arith.addi %mul3A_325, %add3A_354 : i32
      %swap3A_356 = arith.index_cast %add3A_355 : i32 to index
      %swap3A_357 = tpu.vector_load %arg6[%swap3A_356] {strides = array<i32>} : memref<51216xi32, #tpu.memory_space<vmem>>, vector<16xi32>,
      tpu.vector_store %arg6[%swap3A_356], %add3A_353 {strides = array<i32>} : memref<51216xi32, #tpu.memory_space<vmem>>, vector<16xi32>,
      %bitcast_convert_type3A_358 = tpu.bitcast %masked_sort3A_306 : vector<16xf32> -> vector<16xi32>
      %and3A_359 = arith.constant 127 : i32
      %and3A_360 = vector.broadcast %and3A_359 : i32 to vector<16xi32>
      %and3A_361 = arith.andi %bitcast_convert_type3A_358, %and3A_360 : vector<16xi32>
      %sub3A_362 = arith.constant 127 : i32
      %sub3A_363 = vector.broadcast %sub3A_362 : i32 to vector<16xi32>
      %sub3A_364 = arith.subi %sub3A_363, %and3A_361 : vector<16xi32>
      %add3A_365 = arith.addi %sub3A_364, %get3A_9 : vector<16xi32>
      %add3A_366 = arith.constant 48 : i32
      %add3A_367 = arith.addi %mul3A_325, %add3A_366 : i32
      %swap3A_368 = arith.index_cast %add3A_367 : i32 to index
      %swap3A_369 = tpu.vector_load %arg6[%swap3A_368] {strides = array<i32>} : memref<51216xi32, #tpu.memory_space<vmem>>, vector<16xi32>,
      tpu.vector_store %arg6[%swap3A_368], %add3A_365 {strides = array<i32>} : memref<51216xi32, #tpu.memory_space<vmem>>, vector<16xi32>,
      %bitcast_convert_type3A_370 = tpu.bitcast %masked_sort3A_310 : vector<16xf32> -> vector<16xi32>
      %and3A_371 = arith.constant 127 : i32
      %and3A_372 = vector.broadcast %and3A_371 : i32 to vector<16xi32>
      %and3A_373 = arith.andi %bitcast_convert_type3A_370, %and3A_372 : vector<16xi32>
      %sub3A_374 = arith.constant 127 : i32
      %sub3A_375 = vector.broadcast %sub3A_374 : i32 to vector<16xi32>
      %sub3A_376 = arith.subi %sub3A_375, %and3A_373 : vector<16xi32>
      %add3A_377 = arith.addi %sub3A_376, %get3A_11 : vector<16xi32>
      %add3A_378 = arith.constant 64 : i32
      %add3A_379 = arith.addi %mul3A_325, %add3A_378 : i32
      %swap3A_380 = arith.index_cast %add3A_379 : i32 to index
      %swap3A_381 = tpu.vector_load %arg6[%swap3A_380] {strides = array<i32>} : memref<51216xi32, #tpu.memory_space<vmem>>, vector<16xi32>,
      tpu.vector_store %arg6[%swap3A_380], %add3A_377 {strides = array<i32>} : memref<51216xi32, #tpu.memory_space<vmem>>, vector<16xi32>,
      %bitcast_convert_type3A_382 = tpu.bitcast %masked_sort3A_314 : vector<16xf32> -> vector<16xi32>
      %and3A_383 = arith.constant 127 : i32
      %and3A_384 = vector.broadcast %and3A_383 : i32 to vector<16xi32>
      %and3A_385 = arith.andi %bitcast_convert_type3A_382, %and3A_384 : vector<16xi32>
      %sub3A_386 = arith.constant 127 : i32
      %sub3A_387 = vector.broadcast %sub3A_386 : i32 to vector<16xi32>
      %sub3A_388 = arith.subi %sub3A_387, %and3A_385 : vector<16xi32>
      %add3A_389 = arith.addi %sub3A_388, %get3A_13 : vector<16xi32>
      %add3A_390 = arith.constant 80 : i32
      %add3A_391 = arith.addi %mul3A_325, %add3A_390 : i32
      %swap3A_392 = arith.index_cast %add3A_391 : i32 to index
      %swap3A_393 = tpu.vector_load %arg6[%swap3A_392] {strides = array<i32>} : memref<51216xi32, #tpu.memory_space<vmem>>, vector<16xi32>,
      tpu.vector_store %arg6[%swap3A_392], %add3A_389 {strides = array<i32>} : memref<51216xi32, #tpu.memory_space<vmem>>, vector<16xi32>,
      %bitcast_convert_type3A_394 = tpu.bitcast %masked_sort3A_318 : vector<16xf32> -> vector<16xi32>
      %and3A_395 = arith.constant 127 : i32
      %and3A_396 = vector.broadcast %and3A_395 : i32 to vector<16xi32>
      %and3A_397 = arith.andi %bitcast_convert_type3A_394, %and3A_396 : vector<16xi32>
      %sub3A_398 = arith.constant 127 : i32
      %sub3A_399 = vector.broadcast %sub3A_398 : i32 to vector<16xi32>
      %sub3A_400 = arith.subi %sub3A_399, %and3A_397 : vector<16xi32>
      %add3A_401 = arith.addi %sub3A_400, %get3A_15 : vector<16xi32>
      %add3A_402 = arith.constant 96 : i32
      %add3A_403 = arith.addi %mul3A_325, %add3A_402 : i32
      %swap3A_404 = arith.index_cast %add3A_403 : i32 to index
      %swap3A_405 = tpu.vector_load %arg6[%swap3A_404] {strides = array<i32>} : memref<51216xi32, #tpu.memory_space<vmem>>, vector<16xi32>,
      tpu.vector_store %arg6[%swap3A_404], %add3A_401 {strides = array<i32>} : memref<51216xi32, #tpu.memory_space<vmem>>, vector<16xi32>,
      %mul3A_406 = arith.constant 2 : i32
      %mul3A_407 = arith.muli %mul3A_406, %scan3A_23 : i32
      %add3A_408 = arith.constant 1 : i32
      %add3A_409 = arith.addi %mul3A_407, %add3A_408 : i32
      %mul3A_410 = arith.constant 128 : i32
      %mul3A_411 = arith.muli %add3A_409, %mul3A_410 : i32
      %add3A_412 = arith.constant 0 : i32
      %add3A_413 = arith.addi %mul3A_411, %add3A_412 : i32
      %get3A_414 = arith.index_cast %add3A_413 : i32 to index
      %get3A_415 = tpu.vector_load %arg5[%get3A_414] {strides = array<i32>} : memref<65536xf32, #tpu.memory_space<vmem>>, vector<16xf32>,
      %add3A_416 = arith.constant 0 : i32
      %add3A_417 = arith.addi %mul3A_411, %add3A_416 : i32
      %get3A_418 = arith.index_cast %add3A_417 : i32 to index
      %get3A_419 = tpu.vector_load %arg5[%get3A_418] {strides = array<i32>} : memref<65536xf32, #tpu.memory_space<vmem>>, vector<16xf32>,
      %masked_sort3A_420 = arith.constant dense<true> : vector<16xi1>
      %masked_sort3A_421, %masked_sort3A_422, %masked_sort3A_423 = tpu.sort %get3A_415, %get3A_419 masked %masked_sort3A_420 : (vector<16xf32>, vector<16xf32>, vector<16xi1>) -> (vector<16xi1>, vector<16xf32>, vector<16xf32>)
      %add3A_424 = arith.constant 16 : i32
      %add3A_425 = arith.addi %mul3A_411, %add3A_424 : i32
      %get3A_426 = arith.index_cast %add3A_425 : i32 to index
      %get3A_427 = tpu.vector_load %arg5[%get3A_426] {strides = array<i32>} : memref<65536xf32, #tpu.memory_space<vmem>>, vector<16xf32>,
      %add3A_428 = arith.constant 16 : i32
      %add3A_429 = arith.addi %mul3A_411, %add3A_428 : i32
      %get3A_430 = arith.index_cast %add3A_429 : i32 to index
      %get3A_431 = tpu.vector_load %arg5[%get3A_430] {strides = array<i32>} : memref<65536xf32, #tpu.memory_space<vmem>>, vector<16xf32>,
      %masked_sort3A_432 = arith.constant dense<true> : vector<16xi1>
      %masked_sort3A_433, %masked_sort3A_434, %masked_sort3A_435 = tpu.sort %get3A_427, %get3A_431 masked %masked_sort3A_432 : (vector<16xf32>, vector<16xf32>, vector<16xi1>) -> (vector<16xi1>, vector<16xf32>, vector<16xf32>)
      %add3A_436 = arith.constant 32 : i32
      %add3A_437 = arith.addi %mul3A_411, %add3A_436 : i32
      %get3A_438 = arith.index_cast %add3A_437 : i32 to index
      %get3A_439 = tpu.vector_load %arg5[%get3A_438] {strides = array<i32>} : memref<65536xf32, #tpu.memory_space<vmem>>, vector<16xf32>,
      %add3A_440 = arith.constant 32 : i32
      %add3A_441 = arith.addi %mul3A_411, %add3A_440 : i32
      %get3A_442 = arith.index_cast %add3A_441 : i32 to index
      %get3A_443 = tpu.vector_load %arg5[%get3A_442] {strides = array<i32>} : memref<65536xf32, #tpu.memory_space<vmem>>, vector<16xf32>,
      %masked_sort3A_444 = arith.constant dense<true> : vector<16xi1>
      %masked_sort3A_445, %masked_sort3A_446, %masked_sort3A_447 = tpu.sort %get3A_439, %get3A_443 masked %masked_sort3A_444 : (vector<16xf32>, vector<16xf32>, vector<16xi1>) -> (vector<16xi1>, vector<16xf32>, vector<16xf32>)
      %add3A_448 = arith.constant 48 : i32
      %add3A_449 = arith.addi %mul3A_411, %add3A_448 : i32
      %get3A_450 = arith.index_cast %add3A_449 : i32 to index
      %get3A_451 = tpu.vector_load %arg5[%get3A_450] {strides = array<i32>} : memref<65536xf32, #tpu.memory_space<vmem>>, vector<16xf32>,
      %add3A_452 = arith.constant 48 : i32
      %add3A_453 = arith.addi %mul3A_411, %add3A_452 : i32
      %get3A_454 = arith.index_cast %add3A_453 : i32 to index
      %get3A_455 = tpu.vector_load %arg5[%get3A_454] {strides = array<i32>} : memref<65536xf32, #tpu.memory_space<vmem>>, vector<16xf32>,
      %masked_sort3A_456 = arith.constant dense<true> : vector<16xi1>
      %masked_sort3A_457, %masked_sort3A_458, %masked_sort3A_459 = tpu.sort %get3A_451, %get3A_455 masked %masked_sort3A_456 : (vector<16xf32>, vector<16xf32>, vector<16xi1>) -> (vector<16xi1>, vector<16xf32>, vector<16xf32>)
      %add3A_460 = arith.constant 64 : i32
      %add3A_461 = arith.addi %mul3A_411, %add3A_460 : i32
      %get3A_462 = arith.index_cast %add3A_461 : i32 to index
      %get3A_463 = tpu.vector_load %arg5[%get3A_462] {strides = array<i32>} : memref<65536xf32, #tpu.memory_space<vmem>>, vector<16xf32>,
      %add3A_464 = arith.constant 64 : i32
      %add3A_465 = arith.addi %mul3A_411, %add3A_464 : i32
      %get3A_466 = arith.index_cast %add3A_465 : i32 to index
      %get3A_467 = tpu.vector_load %arg5[%get3A_466] {strides = array<i32>} : memref<65536xf32, #tpu.memory_space<vmem>>, vector<16xf32>,
      %masked_sort3A_468 = arith.constant dense<true> : vector<16xi1>
      %masked_sort3A_469, %masked_sort3A_470, %masked_sort3A_471 = tpu.sort %get3A_463, %get3A_467 masked %masked_sort3A_468 : (vector<16xf32>, vector<16xf32>, vector<16xi1>) -> (vector<16xi1>, vector<16xf32>, vector<16xf32>)
      %add3A_472 = arith.constant 80 : i32
      %add3A_473 = arith.addi %mul3A_411, %add3A_472 : i32
      %get3A_474 = arith.index_cast %add3A_473 : i32 to index
      %get3A_475 = tpu.vector_load %arg5[%get3A_474] {strides = array<i32>} : memref<65536xf32, #tpu.memory_space<vmem>>, vector<16xf32>,
      %add3A_476 = arith.constant 80 : i32
      %add3A_477 = arith.addi %mul3A_411, %add3A_476 : i32
      %get3A_478 = arith.index_cast %add3A_477 : i32 to index
      %get3A_479 = tpu.vector_load %arg5[%get3A_478] {strides = array<i32>} : memref<65536xf32, #tpu.memory_space<vmem>>, vector<16xf32>,
      %masked_sort3A_480 = arith.constant dense<true> : vector<16xi1>
      %masked_sort3A_481, %masked_sort3A_482, %masked_sort3A_483 = tpu.sort %get3A_475, %get3A_479 masked %masked_sort3A_480 : (vector<16xf32>, vector<16xf32>, vector<16xi1>) -> (vector<16xi1>, vector<16xf32>, vector<16xf32>)
      %add3A_484 = arith.constant 96 : i32
      %add3A_485 = arith.addi %mul3A_411, %add3A_484 : i32
      %get3A_486 = arith.index_cast %add3A_485 : i32 to index
      %get3A_487 = tpu.vector_load %arg5[%get3A_486] {strides = array<i32>} : memref<65536xf32, #tpu.memory_space<vmem>>, vector<16xf32>,
      %add3A_488 = arith.constant 96 : i32
      %add3A_489 = arith.addi %mul3A_411, %add3A_488 : i32
      %get3A_490 = arith.index_cast %add3A_489 : i32 to index
      %get3A_491 = tpu.vector_load %arg5[%get3A_490] {strides = array<i32>} : memref<65536xf32, #tpu.memory_space<vmem>>, vector<16xf32>,
      %masked_sort3A_492 = arith.constant dense<true> : vector<16xi1>
      %masked_sort3A_493, %masked_sort3A_494, %masked_sort3A_495 = tpu.sort %get3A_487, %get3A_491 masked %masked_sort3A_492 : (vector<16xf32>, vector<16xf32>, vector<16xi1>) -> (vector<16xi1>, vector<16xf32>, vector<16xf32>)
      %add3A_496 = arith.constant 112 : i32
      %add3A_497 = arith.addi %mul3A_411, %add3A_496 : i32
      %get3A_498 = arith.index_cast %add3A_497 : i32 to index
      %get3A_499 = tpu.vector_load %arg5[%get3A_498] {strides = array<i32>} : memref<65536xf32, #tpu.memory_space<vmem>>, vector<16xf32>,
      %add3A_500 = arith.constant 112 : i32
      %add3A_501 = arith.addi %mul3A_411, %add3A_500 : i32
      %get3A_502 = arith.index_cast %add3A_501 : i32 to index
      %get3A_503 = tpu.vector_load %arg5[%get3A_502] {strides = array<i32>} : memref<65536xf32, #tpu.memory_space<vmem>>, vector<16xf32>,
      %masked_sort3A_504 = arith.constant dense<true> : vector<16xi1>
      %masked_sort3A_505, %masked_sort3A_506, %masked_sort3A_507 = tpu.sort %get3A_499, %get3A_503 masked %masked_sort3A_504 : (vector<16xf32>, vector<16xf32>, vector<16xi1>) -> (vector<16xi1>, vector<16xf32>, vector<16xf32>)
      %rev3A_508 = arith.constant 15 : i32
      %rev3A_509 = vector.broadcast %rev3A_508 : i32 to vector<16xi32>
      %rev3A_510 = tpu.iota {dimensions = array<i32: 0>} : vector<16xi32>
      %rev3A_511 = arith.subi %rev3A_509, %rev3A_510 : vector<16xi32>
      %rev3A_512 = tpu.dynamic_gather %masked_sort3A_434[%rev3A_511] in [0] : vector<16xf32>, vector<16xi32> -> vector<16xf32>
      %min3A_513 = arith.minimumf %masked_sort3A_422, %rev3A_512 : vector<16xf32>
      %max3A_514 = arith.maximumf %masked_sort3A_422, %rev3A_512 : vector<16xf32>
      %masked_sort3A_515 = arith.constant dense<true> : vector<16xi1>
      %masked_sort3A_516, %masked_sort3A_517, %masked_sort3A_518 = tpu.sort %min3A_513, %min3A_513 masked %masked_sort3A_515 : (vector<16xf32>, vector<16xf32>, vector<16xi1>) -> (vector<16xi1>, vector<16xf32>, vector<16xf32>)
      %masked_sort3A_519 = arith.constant dense<true> : vector<16xi1>
      %masked_sort3A_520, %masked_sort3A_521, %masked_sort3A_522 = tpu.sort %max3A_514, %max3A_514 masked %masked_sort3A_519 : (vector<16xf32>, vector<16xf32>, vector<16xi1>) -> (vector<16xi1>, vector<16xf32>, vector<16xf32>)
      %rev3A_523 = arith.constant 15 : i32
      %rev3A_524 = vector.broadcast %rev3A_523 : i32 to vector<16xi32>
      %rev3A_525 = tpu.iota {dimensions = array<i32: 0>} : vector<16xi32>
      %rev3A_526 = arith.subi %rev3A_524, %rev3A_525 : vector<16xi32>
      %rev3A_527 = tpu.dynamic_gather %masked_sort3A_458[%rev3A_526] in [0] : vector<16xf32>, vector<16xi32> -> vector<16xf32>
      %min3A_528 = arith.minimumf %masked_sort3A_446, %rev3A_527 : vector<16xf32>
      %max3A_529 = arith.maximumf %masked_sort3A_446, %rev3A_527 : vector<16xf32>
      %masked_sort3A_530 = arith.constant dense<true> : vector<16xi1>
      %masked_sort3A_531, %masked_sort3A_532, %masked_sort3A_533 = tpu.sort %min3A_528, %min3A_528 masked %masked_sort3A_530 : (vector<16xf32>, vector<16xf32>, vector<16xi1>) -> (vector<16xi1>, vector<16xf32>, vector<16xf32>)
      %masked_sort3A_534 = arith.constant dense<true> : vector<16xi1>
      %masked_sort3A_535, %masked_sort3A_536, %masked_sort3A_537 = tpu.sort %max3A_529, %max3A_529 masked %masked_sort3A_534 : (vector<16xf32>, vector<16xf32>, vector<16xi1>) -> (vector<16xi1>, vector<16xf32>, vector<16xf32>)
      %rev3A_538 = arith.constant 15 : i32
      %rev3A_539 = vector.broadcast %rev3A_538 : i32 to vector<16xi32>
      %rev3A_540 = tpu.iota {dimensions = array<i32: 0>} : vector<16xi32>
      %rev3A_541 = arith.subi %rev3A_539, %rev3A_540 : vector<16xi32>
      %rev3A_542 = tpu.dynamic_gather %masked_sort3A_482[%rev3A_541] in [0] : vector<16xf32>, vector<16xi32> -> vector<16xf32>
      %min3A_543 = arith.minimumf %masked_sort3A_470, %rev3A_542 : vector<16xf32>
      %max3A_544 = arith.maximumf %masked_sort3A_470, %rev3A_542 : vector<16xf32>
      %masked_sort3A_545 = arith.constant dense<true> : vector<16xi1>
      %masked_sort3A_546, %masked_sort3A_547, %masked_sort3A_548 = tpu.sort %min3A_543, %min3A_543 masked %masked_sort3A_545 : (vector<16xf32>, vector<16xf32>, vector<16xi1>) -> (vector<16xi1>, vector<16xf32>, vector<16xf32>)
      %masked_sort3A_549 = arith.constant dense<true> : vector<16xi1>
      %masked_sort3A_550, %masked_sort3A_551, %masked_sort3A_552 = tpu.sort %max3A_544, %max3A_544 masked %masked_sort3A_549 : (vector<16xf32>, vector<16xf32>, vector<16xi1>) -> (vector<16xi1>, vector<16xf32>, vector<16xf32>)
      %rev3A_553 = arith.constant 15 : i32
      %rev3A_554 = vector.broadcast %rev3A_553 : i32 to vector<16xi32>
      %rev3A_555 = tpu.iota {dimensions = array<i32: 0>} : vector<16xi32>
      %rev3A_556 = arith.subi %rev3A_554, %rev3A_555 : vector<16xi32>
      %rev3A_557 = tpu.dynamic_gather %masked_sort3A_506[%rev3A_556] in [0] : vector<16xf32>, vector<16xi32> -> vector<16xf32>
      %min3A_558 = arith.minimumf %masked_sort3A_494, %rev3A_557 : vector<16xf32>
      %max3A_559 = arith.maximumf %masked_sort3A_494, %rev3A_557 : vector<16xf32>
      %masked_sort3A_560 = arith.constant dense<true> : vector<16xi1>
      %masked_sort3A_561, %masked_sort3A_562, %masked_sort3A_563 = tpu.sort %min3A_558, %min3A_558 masked %masked_sort3A_560 : (vector<16xf32>, vector<16xf32>, vector<16xi1>) -> (vector<16xi1>, vector<16xf32>, vector<16xf32>)
      %masked_sort3A_564 = arith.constant dense<true> : vector<16xi1>
      %masked_sort3A_565, %masked_sort3A_566, %masked_sort3A_567 = tpu.sort %max3A_559, %max3A_559 masked %masked_sort3A_564 : (vector<16xf32>, vector<16xf32>, vector<16xi1>) -> (vector<16xi1>, vector<16xf32>, vector<16xf32>)
      %rev3A_568 = arith.constant 15 : i32
      %rev3A_569 = vector.broadcast %rev3A_568 : i32 to vector<16xi32>
      %rev3A_570 = tpu.iota {dimensions = array<i32: 0>} : vector<16xi32>
      %rev3A_571 = arith.subi %rev3A_569, %rev3A_570 : vector<16xi32>
      %rev3A_572 = tpu.dynamic_gather %masked_sort3A_536[%rev3A_571] in [0] : vector<16xf32>, vector<16xi32> -> vector<16xf32>
      %rev3A_573 = arith.constant 15 : i32
      %rev3A_574 = vector.broadcast %rev3A_573 : i32 to vector<16xi32>
      %rev3A_575 = tpu.iota {dimensions = array<i32: 0>} : vector<16xi32>
      %rev3A_576 = arith.subi %rev3A_574, %rev3A_575 : vector<16xi32>
      %rev3A_577 = tpu.dynamic_gather %masked_sort3A_532[%rev3A_576] in [0] : vector<16xf32>, vector<16xi32> -> vector<16xf32>
      %min3A_578 = arith.minimumf %masked_sort3A_517, %rev3A_572 : vector<16xf32>
      %max3A_579 = arith.maximumf %masked_sort3A_517, %rev3A_572 : vector<16xf32>
      %min3A_580 = arith.minimumf %masked_sort3A_521, %rev3A_577 : vector<16xf32>
      %max3A_581 = arith.maximumf %masked_sort3A_521, %rev3A_577 : vector<16xf32>
      %min3A_582 = arith.minimumf %min3A_578, %min3A_580 : vector<16xf32>
      %max3A_583 = arith.maximumf %min3A_578, %min3A_580 : vector<16xf32>
      %min3A_584 = arith.minimumf %max3A_579, %max3A_581 : vector<16xf32>
      %max3A_585 = arith.maximumf %max3A_579, %max3A_581 : vector<16xf32>
      %masked_sort3A_586 = arith.constant dense<true> : vector<16xi1>
      %masked_sort3A_587, %masked_sort3A_588, %masked_sort3A_589 = tpu.sort %min3A_582, %min3A_582 masked %masked_sort3A_586 : (vector<16xf32>, vector<16xf32>, vector<16xi1>) -> (vector<16xi1>, vector<16xf32>, vector<16xf32>)
      %masked_sort3A_590 = arith.constant dense<true> : vector<16xi1>
      %masked_sort3A_591, %masked_sort3A_592, %masked_sort3A_593 = tpu.sort %max3A_583, %max3A_583 masked %masked_sort3A_590 : (vector<16xf32>, vector<16xf32>, vector<16xi1>) -> (vector<16xi1>, vector<16xf32>, vector<16xf32>)
      %masked_sort3A_594 = arith.constant dense<true> : vector<16xi1>
      %masked_sort3A_595, %masked_sort3A_596, %masked_sort3A_597 = tpu.sort %min3A_584, %min3A_584 masked %masked_sort3A_594 : (vector<16xf32>, vector<16xf32>, vector<16xi1>) -> (vector<16xi1>, vector<16xf32>, vector<16xf32>)
      %masked_sort3A_598 = arith.constant dense<true> : vector<16xi1>
      %masked_sort3A_599, %masked_sort3A_600, %masked_sort3A_601 = tpu.sort %max3A_585, %max3A_585 masked %masked_sort3A_598 : (vector<16xf32>, vector<16xf32>, vector<16xi1>) -> (vector<16xi1>, vector<16xf32>, vector<16xf32>)
      %rev3A_602 = arith.constant 15 : i32
      %rev3A_603 = vector.broadcast %rev3A_602 : i32 to vector<16xi32>
      %rev3A_604 = tpu.iota {dimensions = array<i32: 0>} : vector<16xi32>
      %rev3A_605 = arith.subi %rev3A_603, %rev3A_604 : vector<16xi32>
      %rev3A_606 = tpu.dynamic_gather %masked_sort3A_566[%rev3A_605] in [0] : vector<16xf32>, vector<16xi32> -> vector<16xf32>
      %rev3A_607 = arith.constant 15 : i32
      %rev3A_608 = vector.broadcast %rev3A_607 : i32 to vector<16xi32>
      %rev3A_609 = tpu.iota {dimensions = array<i32: 0>} : vector<16xi32>
      %rev3A_610 = arith.subi %rev3A_608, %rev3A_609 : vector<16xi32>
      %rev3A_611 = tpu.dynamic_gather %masked_sort3A_562[%rev3A_610] in [0] : vector<16xf32>, vector<16xi32> -> vector<16xf32>
      %min3A_612 = arith.minimumf %masked_sort3A_547, %rev3A_606 : vector<16xf32>
      %max3A_613 = arith.maximumf %masked_sort3A_547, %rev3A_606 : vector<16xf32>
      %min3A_614 = arith.minimumf %masked_sort3A_551, %rev3A_611 : vector<16xf32>
      %max3A_615 = arith.maximumf %masked_sort3A_551, %rev3A_611 : vector<16xf32>
      %min3A_616 = arith.minimumf %min3A_612, %min3A_614 : vector<16xf32>
      %max3A_617 = arith.maximumf %min3A_612, %min3A_614 : vector<16xf32>
      %min3A_618 = arith.minimumf %max3A_613, %max3A_615 : vector<16xf32>
      %max3A_619 = arith.maximumf %max3A_613, %max3A_615 : vector<16xf32>
      %masked_sort3A_620 = arith.constant dense<true> : vector<16xi1>
      %masked_sort3A_621, %masked_sort3A_622, %masked_sort3A_623 = tpu.sort %min3A_616, %min3A_616 masked %masked_sort3A_620 : (vector<16xf32>, vector<16xf32>, vector<16xi1>) -> (vector<16xi1>, vector<16xf32>, vector<16xf32>)
      %masked_sort3A_624 = arith.constant dense<true> : vector<16xi1>
      %masked_sort3A_625, %masked_sort3A_626, %masked_sort3A_627 = tpu.sort %max3A_617, %max3A_617 masked %masked_sort3A_624 : (vector<16xf32>, vector<16xf32>, vector<16xi1>) -> (vector<16xi1>, vector<16xf32>, vector<16xf32>)
      %masked_sort3A_628 = arith.constant dense<true> : vector<16xi1>
      %masked_sort3A_629, %masked_sort3A_630, %masked_sort3A_631 = tpu.sort %min3A_618, %min3A_618 masked %masked_sort3A_628 : (vector<16xf32>, vector<16xf32>, vector<16xi1>) -> (vector<16xi1>, vector<16xf32>, vector<16xf32>)
      %masked_sort3A_632 = arith.constant dense<true> : vector<16xi1>
      %masked_sort3A_633, %masked_sort3A_634, %masked_sort3A_635 = tpu.sort %max3A_619, %max3A_619 masked %masked_sort3A_632 : (vector<16xf32>, vector<16xf32>, vector<16xi1>) -> (vector<16xi1>, vector<16xf32>, vector<16xf32>)
      %rev3A_636 = arith.constant 15 : i32
      %rev3A_637 = vector.broadcast %rev3A_636 : i32 to vector<16xi32>
      %rev3A_638 = tpu.iota {dimensions = array<i32: 0>} : vector<16xi32>
      %rev3A_639 = arith.subi %rev3A_637, %rev3A_638 : vector<16xi32>
      %rev3A_640 = tpu.dynamic_gather %masked_sort3A_634[%rev3A_639] in [0] : vector<16xf32>, vector<16xi32> -> vector<16xf32>
      %rev3A_641 = arith.constant 15 : i32
      %rev3A_642 = vector.broadcast %rev3A_641 : i32 to vector<16xi32>
      %rev3A_643 = tpu.iota {dimensions = array<i32: 0>} : vector<16xi32>
      %rev3A_644 = arith.subi %rev3A_642, %rev3A_643 : vector<16xi32>
      %rev3A_645 = tpu.dynamic_gather %masked_sort3A_630[%rev3A_644] in [0] : vector<16xf32>, vector<16xi32> -> vector<16xf32>
      %rev3A_646 = arith.constant 15 : i32
      %rev3A_647 = vector.broadcast %rev3A_646 : i32 to vector<16xi32>
      %rev3A_648 = tpu.iota {dimensions = array<i32: 0>} : vector<16xi32>
      %rev3A_649 = arith.subi %rev3A_647, %rev3A_648 : vector<16xi32>
      %rev3A_650 = tpu.dynamic_gather %masked_sort3A_626[%rev3A_649] in [0] : vector<16xf32>, vector<16xi32> -> vector<16xf32>
      %rev3A_651 = arith.constant 15 : i32
      %rev3A_652 = vector.broadcast %rev3A_651 : i32 to vector<16xi32>
      %rev3A_653 = tpu.iota {dimensions = array<i32: 0>} : vector<16xi32>
      %rev3A_654 = arith.subi %rev3A_652, %rev3A_653 : vector<16xi32>
      %rev3A_655 = tpu.dynamic_gather %masked_sort3A_622[%rev3A_654] in [0] : vector<16xf32>, vector<16xi32> -> vector<16xf32>
      %min3A_656 = arith.minimumf %masked_sort3A_588, %rev3A_640 : vector<16xf32>
      %max3A_657 = arith.maximumf %masked_sort3A_588, %rev3A_640 : vector<16xf32>
      %min3A_658 = arith.minimumf %masked_sort3A_592, %rev3A_645 : vector<16xf32>
      %max3A_659 = arith.maximumf %masked_sort3A_592, %rev3A_645 : vector<16xf32>
      %min3A_660 = arith.minimumf %masked_sort3A_596, %rev3A_650 : vector<16xf32>
      %max3A_661 = arith.maximumf %masked_sort3A_596, %rev3A_650 : vector<16xf32>
      %min3A_662 = arith.minimumf %masked_sort3A_600, %rev3A_655 : vector<16xf32>
      %max3A_663 = arith.maximumf %masked_sort3A_600, %rev3A_655 : vector<16xf32>
      %min3A_664 = arith.minimumf %min3A_656, %min3A_660 : vector<16xf32>
      %max3A_665 = arith.maximumf %min3A_656, %min3A_660 : vector<16xf32>
      %min3A_666 = arith.minimumf %min3A_658, %min3A_662 : vector<16xf32>
      %max3A_667 = arith.maximumf %min3A_658, %min3A_662 : vector<16xf32>
      %min3A_668 = arith.minimumf %max3A_657, %max3A_661 : vector<16xf32>
      %max3A_669 = arith.maximumf %max3A_657, %max3A_661 : vector<16xf32>
      %min3A_670 = arith.minimumf %max3A_659, %max3A_663 : vector<16xf32>
      %max3A_671 = arith.maximumf %max3A_659, %max3A_663 : vector<16xf32>
      %min3A_672 = arith.minimumf %min3A_664, %min3A_666 : vector<16xf32>
      %max3A_673 = arith.maximumf %min3A_664, %min3A_666 : vector<16xf32>
      %min3A_674 = arith.minimumf %max3A_665, %max3A_667 : vector<16xf32>
      %max3A_675 = arith.maximumf %max3A_665, %max3A_667 : vector<16xf32>
      %min3A_676 = arith.minimumf %min3A_668, %min3A_670 : vector<16xf32>
      %max3A_677 = arith.maximumf %min3A_668, %min3A_670 : vector<16xf32>
      %min3A_678 = arith.minimumf %max3A_669, %max3A_671 : vector<16xf32>
      %max3A_679 = arith.maximumf %max3A_669, %max3A_671 : vector<16xf32>
      %masked_sort3A_680 = arith.constant dense<true> : vector<16xi1>
      %masked_sort3A_681, %masked_sort3A_682, %masked_sort3A_683 = tpu.sort %min3A_672, %min3A_672 masked %masked_sort3A_680 : (vector<16xf32>, vector<16xf32>, vector<16xi1>) -> (vector<16xi1>, vector<16xf32>, vector<16xf32>)
      %masked_sort3A_684 = arith.constant dense<true> : vector<16xi1>
      %masked_sort3A_685, %masked_sort3A_686, %masked_sort3A_687 = tpu.sort %max3A_673, %max3A_673 masked %masked_sort3A_684 : (vector<16xf32>, vector<16xf32>, vector<16xi1>) -> (vector<16xi1>, vector<16xf32>, vector<16xf32>)
      %masked_sort3A_688 = arith.constant dense<true> : vector<16xi1>
      %masked_sort3A_689, %masked_sort3A_690, %masked_sort3A_691 = tpu.sort %min3A_674, %min3A_674 masked %masked_sort3A_688 : (vector<16xf32>, vector<16xf32>, vector<16xi1>) -> (vector<16xi1>, vector<16xf32>, vector<16xf32>)
      %masked_sort3A_692 = arith.constant dense<true> : vector<16xi1>
      %masked_sort3A_693, %masked_sort3A_694, %masked_sort3A_695 = tpu.sort %max3A_675, %max3A_675 masked %masked_sort3A_692 : (vector<16xf32>, vector<16xf32>, vector<16xi1>) -> (vector<16xi1>, vector<16xf32>, vector<16xf32>)
      %masked_sort3A_696 = arith.constant dense<true> : vector<16xi1>
      %masked_sort3A_697, %masked_sort3A_698, %masked_sort3A_699 = tpu.sort %min3A_676, %min3A_676 masked %masked_sort3A_696 : (vector<16xf32>, vector<16xf32>, vector<16xi1>) -> (vector<16xi1>, vector<16xf32>, vector<16xf32>)
      %masked_sort3A_700 = arith.constant dense<true> : vector<16xi1>
      %masked_sort3A_701, %masked_sort3A_702, %masked_sort3A_703 = tpu.sort %max3A_677, %max3A_677 masked %masked_sort3A_700 : (vector<16xf32>, vector<16xf32>, vector<16xi1>) -> (vector<16xi1>, vector<16xf32>, vector<16xf32>)
      %masked_sort3A_704 = arith.constant dense<true> : vector<16xi1>
      %masked_sort3A_705, %masked_sort3A_706, %masked_sort3A_707 = tpu.sort %min3A_678, %min3A_678 masked %masked_sort3A_704 : (vector<16xf32>, vector<16xf32>, vector<16xi1>) -> (vector<16xi1>, vector<16xf32>, vector<16xf32>)
      %masked_sort3A_708 = arith.constant dense<true> : vector<16xi1>
      %masked_sort3A_709, %masked_sort3A_710, %masked_sort3A_711 = tpu.sort %max3A_679, %max3A_679 masked %masked_sort3A_708 : (vector<16xf32>, vector<16xf32>, vector<16xi1>) -> (vector<16xi1>, vector<16xf32>, vector<16xf32>)
      %mul3A_712 = arith.constant 100 : i32
      %mul3A_713 = arith.muli %add3A_409, %mul3A_712 : i32
      %bitcast_convert_type3A_714 = tpu.bitcast %masked_sort3A_682 : vector<16xf32> -> vector<16xi32>
      %and3A_715 = arith.constant 127 : i32
      %and3A_716 = vector.broadcast %and3A_715 : i32 to vector<16xi32>
      %and3A_717 = arith.andi %bitcast_convert_type3A_714, %and3A_716 : vector<16xi32>
      %sub3A_718 = arith.constant 127 : i32
      %sub3A_719 = vector.broadcast %sub3A_718 : i32 to vector<16xi32>
      %sub3A_720 = arith.subi %sub3A_719, %and3A_717 : vector<16xi32>
      %add3A_721 = arith.addi %sub3A_720, %get3A_3 : vector<16xi32>
      %add3A_722 = arith.constant 0 : i32
      %add3A_723 = arith.addi %mul3A_713, %add3A_722 : i32
      %swap3A_724 = arith.index_cast %add3A_723 : i32 to index
      %swap3A_725 = tpu.vector_load %arg6[%swap3A_724] {strides = array<i32>} : memref<51216xi32, #tpu.memory_space<vmem>>, vector<16xi32>,
      tpu.vector_store %arg6[%swap3A_724], %add3A_721 {strides = array<i32>} : memref<51216xi32, #tpu.memory_space<vmem>>, vector<16xi32>,
      %bitcast_convert_type3A_726 = tpu.bitcast %masked_sort3A_686 : vector<16xf32> -> vector<16xi32>
      %and3A_727 = arith.constant 127 : i32
      %and3A_728 = vector.broadcast %and3A_727 : i32 to vector<16xi32>
      %and3A_729 = arith.andi %bitcast_convert_type3A_726, %and3A_728 : vector<16xi32>
      %sub3A_730 = arith.constant 127 : i32
      %sub3A_731 = vector.broadcast %sub3A_730 : i32 to vector<16xi32>
      %sub3A_732 = arith.subi %sub3A_731, %and3A_729 : vector<16xi32>
      %add3A_733 = arith.addi %sub3A_732, %get3A_5 : vector<16xi32>
      %add3A_734 = arith.constant 16 : i32
      %add3A_735 = arith.addi %mul3A_713, %add3A_734 : i32
      %swap3A_736 = arith.index_cast %add3A_735 : i32 to index
      %swap3A_737 = tpu.vector_load %arg6[%swap3A_736] {strides = array<i32>} : memref<51216xi32, #tpu.memory_space<vmem>>, vector<16xi32>,
      tpu.vector_store %arg6[%swap3A_736], %add3A_733 {strides = array<i32>} : memref<51216xi32, #tpu.memory_space<vmem>>, vector<16xi32>,
      %bitcast_convert_type3A_738 = tpu.bitcast %masked_sort3A_690 : vector<16xf32> -> vector<16xi32>
      %and3A_739 = arith.constant 127 : i32
      %and3A_740 = vector.broadcast %and3A_739 : i32 to vector<16xi32>
      %and3A_741 = arith.andi %bitcast_convert_type3A_738, %and3A_740 : vector<16xi32>
      %sub3A_742 = arith.constant 127 : i32
      %sub3A_743 = vector.broadcast %sub3A_742 : i32 to vector<16xi32>
      %sub3A_744 = arith.subi %sub3A_743, %and3A_741 : vector<16xi32>
      %add3A_745 = arith.addi %sub3A_744, %get3A_7 : vector<16xi32>
      %add3A_746 = arith.constant 32 : i32
      %add3A_747 = arith.addi %mul3A_713, %add3A_746 : i32
      %swap3A_748 = arith.index_cast %add3A_747 : i32 to index
      %swap3A_749 = tpu.vector_load %arg6[%swap3A_748] {strides = array<i32>} : memref<51216xi32, #tpu.memory_space<vmem>>, vector<16xi32>,
      tpu.vector_store %arg6[%swap3A_748], %add3A_745 {strides = array<i32>} : memref<51216xi32, #tpu.memory_space<vmem>>, vector<16xi32>,
      %bitcast_convert_type3A_750 = tpu.bitcast %masked_sort3A_694 : vector<16xf32> -> vector<16xi32>
      %and3A_751 = arith.constant 127 : i32
      %and3A_752 = vector.broadcast %and3A_751 : i32 to vector<16xi32>
      %and3A_753 = arith.andi %bitcast_convert_type3A_750, %and3A_752 : vector<16xi32>
      %sub3A_754 = arith.constant 127 : i32
      %sub3A_755 = vector.broadcast %sub3A_754 : i32 to vector<16xi32>
      %sub3A_756 = arith.subi %sub3A_755, %and3A_753 : vector<16xi32>
      %add3A_757 = arith.addi %sub3A_756, %get3A_9 : vector<16xi32>
      %add3A_758 = arith.constant 48 : i32
      %add3A_759 = arith.addi %mul3A_713, %add3A_758 : i32
      %swap3A_760 = arith.index_cast %add3A_759 : i32 to index
      %swap3A_761 = tpu.vector_load %arg6[%swap3A_760] {strides = array<i32>} : memref<51216xi32, #tpu.memory_space<vmem>>, vector<16xi32>,
      tpu.vector_store %arg6[%swap3A_760], %add3A_757 {strides = array<i32>} : memref<51216xi32, #tpu.memory_space<vmem>>, vector<16xi32>,
      %bitcast_convert_type3A_762 = tpu.bitcast %masked_sort3A_698 : vector<16xf32> -> vector<16xi32>
      %and3A_763 = arith.constant 127 : i32
      %and3A_764 = vector.broadcast %and3A_763 : i32 to vector<16xi32>
      %and3A_765 = arith.andi %bitcast_convert_type3A_762, %and3A_764 : vector<16xi32>
      %sub3A_766 = arith.constant 127 : i32
      %sub3A_767 = vector.broadcast %sub3A_766 : i32 to vector<16xi32>
      %sub3A_768 = arith.subi %sub3A_767, %and3A_765 : vector<16xi32>
      %add3A_769 = arith.addi %sub3A_768, %get3A_11 : vector<16xi32>
      %add3A_770 = arith.constant 64 : i32
      %add3A_771 = arith.addi %mul3A_713, %add3A_770 : i32
      %swap3A_772 = arith.index_cast %add3A_771 : i32 to index
      %swap3A_773 = tpu.vector_load %arg6[%swap3A_772] {strides = array<i32>} : memref<51216xi32, #tpu.memory_space<vmem>>, vector<16xi32>,
      tpu.vector_store %arg6[%swap3A_772], %add3A_769 {strides = array<i32>} : memref<51216xi32, #tpu.memory_space<vmem>>, vector<16xi32>,
      %bitcast_convert_type3A_774 = tpu.bitcast %masked_sort3A_702 : vector<16xf32> -> vector<16xi32>
      %and3A_775 = arith.constant 127 : i32
      %and3A_776 = vector.broadcast %and3A_775 : i32 to vector<16xi32>
      %and3A_777 = arith.andi %bitcast_convert_type3A_774, %and3A_776 : vector<16xi32>
      %sub3A_778 = arith.constant 127 : i32
      %sub3A_779 = vector.broadcast %sub3A_778 : i32 to vector<16xi32>
      %sub3A_780 = arith.subi %sub3A_779, %and3A_777 : vector<16xi32>
      %add3A_781 = arith.addi %sub3A_780, %get3A_13 : vector<16xi32>
      %add3A_782 = arith.constant 80 : i32
      %add3A_783 = arith.addi %mul3A_713, %add3A_782 : i32
      %swap3A_784 = arith.index_cast %add3A_783 : i32 to index
      %swap3A_785 = tpu.vector_load %arg6[%swap3A_784] {strides = array<i32>} : memref<51216xi32, #tpu.memory_space<vmem>>, vector<16xi32>,
      tpu.vector_store %arg6[%swap3A_784], %add3A_781 {strides = array<i32>} : memref<51216xi32, #tpu.memory_space<vmem>>, vector<16xi32>,
      %bitcast_convert_type3A_786 = tpu.bitcast %masked_sort3A_706 : vector<16xf32> -> vector<16xi32>
      %and3A_787 = arith.constant 127 : i32
      %and3A_788 = vector.broadcast %and3A_787 : i32 to vector<16xi32>
      %and3A_789 = arith.andi %bitcast_convert_type3A_786, %and3A_788 : vector<16xi32>
      %sub3A_790 = arith.constant 127 : i32
      %sub3A_791 = vector.broadcast %sub3A_790 : i32 to vector<16xi32>
      %sub3A_792 = arith.subi %sub3A_791, %and3A_789 : vector<16xi32>
      %add3A_793 = arith.addi %sub3A_792, %get3A_15 : vector<16xi32>
      %add3A_794 = arith.constant 96 : i32
      %add3A_795 = arith.addi %mul3A_713, %add3A_794 : i32
      %swap3A_796 = arith.index_cast %add3A_795 : i32 to index
      %swap3A_797 = tpu.vector_load %arg6[%swap3A_796] {strides = array<i32>} : memref<51216xi32, #tpu.memory_space<vmem>>, vector<16xi32>,
      tpu.vector_store %arg6[%swap3A_796], %add3A_793 {strides = array<i32>} : memref<51216xi32, #tpu.memory_space<vmem>>, vector<16xi32>,
    }
    %scan3A_20 = arith.constant 256 : i32
    %mul3A_21 = arith.constant 51200 : i32
    %mul3A_22 = arith.muli %add3A, %mul3A_21 : i32
    "tpu.region"() ({
      %run_scoped3A = tpu.sem_alloc : memref<!tpu.dma_semaphore, #tpu.memory_space<semaphore_mem>>
      %dma_start3A = arith.constant 0 : i32
      %dma_start3A_23 = tpu.memref_slice %arg6[%dma_start3A] : memref<51216xi32, #tpu.memory_space<vmem>> -> memref<51200xi32, #tpu.memory_space<vmem>>
      %dma_start3A_24 = tpu.memref_slice %arg4[%mul3A_22] : memref<1638400xi32, #tpu.memory_space<hbm>> -> memref<51200xi32, #tpu.memory_space<hbm>>
      %dma_start3A_25 = tpu.memref_slice %arg4[%mul3A_22] : memref<1638400xi32, #tpu.memory_space<hbm>> -> memref<51200xi32, #tpu.memory_space<hbm>>
      %dma_start3A_26 = arith.constant 0 : i32
      %dma_start3A_27 = tpu.memref_slice %arg6[%dma_start3A_26] : memref<51216xi32, #tpu.memory_space<vmem>> -> memref<51200xi32, #tpu.memory_space<vmem>>
      tpu.enqueue_dma source(%dma_start3A_27 : memref<51200xi32, #tpu.memory_space<vmem>>) target(%dma_start3A_25 : memref<51200xi32, #tpu.memory_space<hbm>>) target_semaphore(%run_scoped3A : memref<!tpu.dma_semaphore, #tpu.memory_space<semaphore_mem>>)
      %dma_wait3A = arith.constant 0 : i32
      %dma_wait3A_28 = tpu.memref_slice %arg6[%dma_wait3A] : memref<51216xi32, #tpu.memory_space<vmem>> -> memref<51200xi32, #tpu.memory_space<vmem>>
      %dma_wait3A_29 = tpu.memref_slice %arg4[%mul3A_22] : memref<1638400xi32, #tpu.memory_space<hbm>> -> memref<51200xi32, #tpu.memory_space<hbm>>
      %dma_wait3A_30 = tpu.memref_slice %arg4[%mul3A_22] : memref<1638400xi32, #tpu.memory_space<hbm>> -> memref<51200xi32, #tpu.memory_space<hbm>>
      %dma_wait3A_31 = arith.constant 0 : i32
      %dma_wait3A_32 = tpu.memref_slice %arg6[%dma_wait3A_31] : memref<51216xi32, #tpu.memory_space<vmem>> -> memref<51200xi32, #tpu.memory_space<vmem>>
      tpu.wait_dma2 semaphore(%run_scoped3A : memref<!tpu.dma_semaphore, #tpu.memory_space<semaphore_mem>>) src(%dma_wait3A_32 : memref<51200xi32, #tpu.memory_space<vmem>>) dst(%dma_wait3A_30 : memref<51200xi32, #tpu.memory_space<hbm>>)
      tpu.yield
    }) : () -> ()
    return
  }
}

module attributes {stable_mosaic.version = 14 : i64} {
  func.func @_tc_body(%arg0: i32, %arg1: memref<4096x128xf32, #tpu.memory_space<vmem>>, %arg2: memref<128x256xf32, #tpu.memory_space<vmem>>, %arg3: memref<1x256xf32, #tpu.memory_space<vmem>>, %arg4: memref<256x100xf32, #tpu.memory_space<vmem>>, %arg5: memref<1x100xf32, #tpu.memory_space<vmem>>, %arg6: memref<4096x128xf32, #tpu.memory_space<vmem>>, %arg7: memref<4096x128xf32, #tpu.memory_space<vmem>>) attributes {dimension_semantics = [#tpu.dimension_semantics<arbitrary>], iteration_bounds = array<i64: 4>, scalar_prefetch = 0 : i64, scratch_operands = 1 : i64, tpu.core_type = #tpu.core_type<tc>, window_params = [{transform_indices = @transform_0, window_bounds = array<i64: 4096, 128>}, {pipeline_mode = #tpu.pipeline_mode<synchronous>, transform_indices = @transform_1, window_bounds = array<i64: 128, 256>}, {pipeline_mode = #tpu.pipeline_mode<synchronous>, transform_indices = @transform_2, window_bounds = array<i64: 1, 256>}, {pipeline_mode = #tpu.pipeline_mode<synchronous>, transform_indices = @transform_3, window_bounds = array<i64: 256, 100>}, {pipeline_mode = #tpu.pipeline_mode<synchronous>, transform_indices = @transform_4, window_bounds = array<i64: 1, 100>}, {transform_indices = @transform_5, window_bounds = array<i64: 4096, 128>}]} {
    %get3A = arith.constant 0 : index
    %get3A_0 = arith.constant 0 : index
    %get3A_1 = vector.load %arg1[%get3A, %get3A_0] : memref<4096x128xf32, #tpu.memory_space<vmem>>, vector<4096x128xf32>
    %get3A_2 = arith.constant 0 : index
    %get3A_3 = arith.constant 0 : index
    %get3A_4 = vector.load %arg2[%get3A_2, %get3A_3] : memref<128x256xf32, #tpu.memory_space<vmem>>, vector<128x256xf32>
    %dot_general3A = arith.constant dense<0.000000e+00> : vector<4096x256xf32>
    %dot_general3A_5 = tpu.matmul %get3A_1, %get3A_4, %dot_general3A {dimension_numbers = #tpu.dot_dimension_numbers<[1], [0], [0], [1], [0, 0, 1, 1], [], []>, transpose_lhs_hint = false} : vector<4096x128xf32>, vector<128x256xf32>, vector<4096x256xf32> -> vector<4096x256xf32>
    %get3A_6 = arith.constant 0 : index
    %get3A_7 = arith.constant 0 : index
    %get3A_8 = vector.load %arg3[%get3A_6, %get3A_7] : memref<1x256xf32, #tpu.memory_space<vmem>>, vector<1x256xf32>
    %add3A = vector.broadcast %get3A_8 : vector<1x256xf32> to vector<4096x256xf32>
    %add3A_9 = arith.addf %dot_general3A_5, %add3A : vector<4096x256xf32>
    %max3A = arith.constant 0.000000e+00 : f32
    %max3A_10 = vector.broadcast %max3A : f32 to vector<4096x256xf32>
    %max3A_11 = arith.maximumf %add3A_9, %max3A_10 : vector<4096x256xf32>
    %broadcast_in_dim3A = arith.constant -1.000000e+09 : f32
    %broadcast_in_dim3A_12 = vector.broadcast %broadcast_in_dim3A : f32 to vector<4096x28xf32>
    %swap3A = arith.constant 0 : index
    %swap3A_13 = arith.constant 100 : index
    %swap3A_14 = vector.load %arg7[%swap3A, %swap3A_13] : memref<4096x128xf32, #tpu.memory_space<vmem>>, vector<4096x28xf32>
    tpu.vector_store %arg7[%swap3A, %swap3A_13], %broadcast_in_dim3A_12 {strides = array<i32>} : memref<4096x128xf32, #tpu.memory_space<vmem>>, vector<4096x28xf32>,
    %get3A_15 = arith.constant 0 : index
    %get3A_16 = arith.constant 0 : index
    %get3A_17 = vector.load %arg4[%get3A_15, %get3A_16] : memref<256x100xf32, #tpu.memory_space<vmem>>, vector<256x100xf32>
    %dot_general3A_18 = arith.constant dense<0.000000e+00> : vector<4096x100xf32>
    %dot_general3A_19 = tpu.matmul %max3A_11, %get3A_17, %dot_general3A_18 {dimension_numbers = #tpu.dot_dimension_numbers<[1], [0], [0], [1], [0, 0, 1, 1], [], []>, transpose_lhs_hint = false} : vector<4096x256xf32>, vector<256x100xf32>, vector<4096x100xf32> -> vector<4096x100xf32>
    %get3A_20 = arith.constant 0 : index
    %get3A_21 = arith.constant 0 : index
    %get3A_22 = vector.load %arg5[%get3A_20, %get3A_21] : memref<1x100xf32, #tpu.memory_space<vmem>>, vector<1x100xf32>
    %add3A_23 = vector.broadcast %get3A_22 : vector<1x100xf32> to vector<4096x100xf32>
    %add3A_24 = arith.addf %dot_general3A_19, %add3A_23 : vector<4096x100xf32>
    %swap3A_25 = arith.constant 0 : index
    %swap3A_26 = arith.constant 0 : index
    %swap3A_27 = vector.load %arg7[%swap3A_25, %swap3A_26] : memref<4096x128xf32, #tpu.memory_space<vmem>>, vector<4096x100xf32>
    tpu.vector_store %arg7[%swap3A_25, %swap3A_26], %add3A_24 {strides = array<i32>} : memref<4096x128xf32, #tpu.memory_space<vmem>>, vector<4096x100xf32>,
    %get3A_28 = arith.constant 0 : index
    %get3A_29 = arith.constant 0 : index
    %get3A_30 = vector.load %arg7[%get3A_28, %get3A_29] : memref<4096x128xf32, #tpu.memory_space<vmem>>, vector<4096x128xf32>
    %bitcast_convert_type3A = tpu.bitcast %get3A_30 : vector<4096x128xf32> -> vector<4096x128xi32>
    %iota3A = tpu.iota {dimensions = array<i32: 1>} : vector<4096x128xi32>
    %and3A = arith.constant -128 : i32
    %and3A_31 = vector.broadcast %and3A : i32 to vector<4096x128xi32>
    %and3A_32 = arith.andi %bitcast_convert_type3A, %and3A_31 : vector<4096x128xi32>
    %sub3A = arith.constant 127 : i32
    %sub3A_33 = vector.broadcast %sub3A : i32 to vector<4096x128xi32>
    %sub3A_34 = arith.subi %sub3A_33, %iota3A : vector<4096x128xi32>
    %or3A = arith.ori %and3A_32, %sub3A_34 : vector<4096x128xi32>
    %xor3A = arith.constant -2147483648 : i32
    %xor3A_35 = vector.broadcast %xor3A : i32 to vector<4096x128xi32>
    %xor3A_36 = arith.xori %or3A, %xor3A_35 : vector<4096x128xi32>
    %bitcast_convert_type3A_37 = tpu.bitcast %xor3A_36 : vector<4096x128xi32> -> vector<4096x128xf32>
    %swap3A_38 = arith.constant 0 : index
    %swap3A_39 = arith.constant 0 : index
    %swap3A_40 = vector.load %arg6[%swap3A_38, %swap3A_39] : memref<4096x128xf32, #tpu.memory_space<vmem>>, vector<4096x128xf32>
    tpu.vector_store %arg6[%swap3A_38, %swap3A_39], %bitcast_convert_type3A_37 {strides = array<i32>} : memref<4096x128xf32, #tpu.memory_space<vmem>>, vector<4096x128xf32>,
    return
  }
  func.func @transform_0(%arg0: i32) -> (i32, i32) {
    %c0_i32 = arith.constant 0 : i32
    %c0_i32_0 = arith.constant 0 : i32
    return %arg0, %c0_i32 : i32, i32
  }
  func.func @transform_1(%arg0: i32) -> (i32, i32) {
    %c0_i32 = arith.constant 0 : i32
    %c0_i32_0 = arith.constant 0 : i32
    %c0_i32_1 = arith.constant 0 : i32
    return %c0_i32, %c0_i32_0 : i32, i32
  }
  func.func @transform_2(%arg0: i32) -> (i32, i32) {
    %c0_i32 = arith.constant 0 : i32
    %c0_i32_0 = arith.constant 0 : i32
    %c0_i32_1 = arith.constant 0 : i32
    return %c0_i32, %c0_i32_0 : i32, i32
  }
  func.func @transform_3(%arg0: i32) -> (i32, i32) {
    %c0_i32 = arith.constant 0 : i32
    %c0_i32_0 = arith.constant 0 : i32
    %c0_i32_1 = arith.constant 0 : i32
    return %c0_i32, %c0_i32_0 : i32, i32
  }
  func.func @transform_4(%arg0: i32) -> (i32, i32) {
    %c0_i32 = arith.constant 0 : i32
    %c0_i32_0 = arith.constant 0 : i32
    %c0_i32_1 = arith.constant 0 : i32
    return %c0_i32, %c0_i32_0 : i32, i32
  }
  func.func @transform_5(%arg0: i32) -> (i32, i32) {
    %c0_i32 = arith.constant 0 : i32
    %c0_i32_0 = arith.constant 0 : i32
    return %arg0, %c0_i32 : i32, i32
  }
}

</mosaic_0001>

<sc_bundles>
// kernel: _run.4.cloned.1.call-start
scs
__scs_entry_jumppad:
0x0: {  	(pc) =	sbr.rel $0x88, $3  }
0x1: {  	(tag) =	ssettag $0x0;
	lr =	simm.s32 $0x1  }
0x2: {  	[smem:$0x3F9B] =	sst lr;
	_ =	strace $0xD0000000  }
0x3: {  	_ = 	snop  }
0x4: {  	_ = 	snop  }
0x5: {  	_ = 	snop  }
0x6: {  	_ = 	snop  }
0x7: {  	_ = 	snop  }
__scs_overlays_trampoline_lowered:
0x8: {  	[smem:$0x3FAA] =	sst s0  }
0x9: {  	[smem:$0x3FAB] =	sst s1  }
0xa: {  	[smem:$0x3FAC] =	sst s2  }
0xb: {  	[smem:$0x3FAD] =	sst s3  }
0xc: {  	[smem:$0x3FAE] =	sst s4  }
0xd: {  	[smem:$0x3FAF] =	sst s5  }
0xe: {  	[smem:$0x3FB0] =	sst s6  }
0xf: {  	[smem:$0x3FB1] =	sst s7  }
0x10: {  	[smem:$0x3FB2] =	sst s8  }
0x11: {  	[smem:$0x3FB3] =	sst s9;
	s0 =	simm.s32 @!p0 $0x0  }
0x12: {  	s1 =	sld [smem:$0x3F99];
	s0 =	simm.s32 @p0 $0x1  }
0x13: {  	[smem:$0x3FB4] =	sst s0;
	s0 =	simm.s32 @!p1 $0x0  }
0x14: {  	s2 =	sld [smem:$0x3F98];
	s0 =	simm.s32 @p1 $0x1  }
0x15: {  	[smem:$0x3FB5] =	sst s0;
	s0 =	simm.s32 @!p2 $0x0  }
0x16: {  	s3 =	sld [smem:$0x3FDB];
	s0 =	simm.s32 @p2 $0x1  }
0x17: {  	s4 =	simm.s32 $0x1BF5;
	[smem:$0x3FB7] =	sst s0  }
0x18: {  	s0 =	sld [smem:$0x3F9A];
	_ =	swait.ge [sflag:s4], $0x0  }
0x19: {  	s7 =	sld [smem:$0x3F9B]  }
0x1a: {  	s8 =	sadd.s32 $0xFFFFE003, lr  }
0x1b: {  	s9 =	sadd.s32 $0xFFFFFEF7, lr;
	s5 =	simm.s32 $0xFFFFFFFF;
	p2 =	slt.u32 s8, $0xFFFFF086  }
0x1c: {  	p1 =	slt.u32 s9, $0xF7A;
	s5 =	simm.s32 @!p2 $0x0  }
0x1d: {  	s5 =	simm.s32 @p1 $0x1;
	p0 =	seq.s32 s7, s2  }
0x1e: {  	s7 =	smul.u32 @!p0 $0xF7A, s2;
	p2 =	seq.s32 @!p0 s5, $0x0  }
0x1f: {  	s9 =	smul.u32 $0xF7A, s1;
	s8 =	simm.s32 @!p0 $0x1BF5;
	p2 =	por !p2, p0  }
0x20: {  	[sflag:s8] =	ssyncset.s32 @!p0 $0xFFFFF086;
	s6 =	sadd.s32 @!p0 s3, s7;
	s7 =	simm.s32 @!p0 $0x108  }
0x21: {  	s3 =	sadd.s32 s3, s9;
	s6 =	sadd.s32 @!p0 $0x88, s6;
	s7 =	simm.s32 @p2 $0x1082  }
0x22: {  	[simem:s7], [sflag:s8] =	dma.local @!p0 [hbm:s6], $0xF7A  }
0x23: {  	s9 =	sor.u32 $0xD0000000, s2;
	s6 =	simm.s32 $0x108;
	_ =	swait.ge @!p0 [sflag:s8], $0x0  }
0x24: {  	s3 =	sadd.s32 $0x88, s3;
	s6 =	simm.s32 @!p1 $0x1082;
	[sflag:s4] =	ssyncset.s32 $0xFFFFF086  }
0x25: {  	[simem:s6], [sflag:s4] =	dma.local [hbm:s3], $0xF7A  }
0x26: {  	[smem:$0x3F9B] =	sst s1;
	(tag) =	ssettag s2;
	_ =	strace s9  }
0x27: {  	s1 =	sld [smem:$0x3FAB]  }
0x28: {  	s2 =	sld [smem:$0x3FAC]  }
0x29: {  	s4 =	sld [smem:$0x3FAE]  }
0x2a: {  	p0 =	seq.s32 s5, $0x0;
	s5 =	sld [smem:$0x3FAF]  }
0x2b: {  	s6 =	sld [smem:$0x3FB0]  }
0x2c: {  	s7 =	sld [smem:$0x3FB1]  }
0x2d: {  	s3 =	simm.s32 $0x108;
	s8 =	sld [smem:$0x3FB2]  }
0x2e: {  	s3 =	simm.s32 @!p0 $0x1082;
	s9 =	sld [smem:$0x3FB3]  }
0x2f: {  	lr =	sadd.s32 s0, s3;
	s0 =	sld [smem:$0x3FAA]  }
0x30: {  	s3 =	sld [smem:$0x3FAD]  }
0x31: {  	[smem:$0x3FB6] =	sst s10  }
0x32: {  	s10 =	sld [smem:$0x3FB4];
	_ =	sdelay $0x3  }
0x33: {  	p0 =	seq.s32 s10, $0x1;
	s10 =	sld [smem:$0x3FB6];
	_ =	sdelay $0x3  }
0x34: {  	[smem:$0x3FB6] =	sst s10  }
0x35: {  	s10 =	sld [smem:$0x3FB5];
	_ =	sdelay $0x3  }
0x36: {  	p1 =	seq.s32 s10, $0x1;
	s10 =	sld [smem:$0x3FB6];
	_ =	sdelay $0x3  }
0x37: {  	[smem:$0x3FB6] =	sst s10  }
0x38: {  	s10 =	sld [smem:$0x3FB7]  }
0x39: {  	_ = 	snop;
	(pc) =	sbr.ind lr, $3  }
0x3a: {  	_ = 	snop  }
0x3b: {  	_ = 	snop  }
0x3c: {  	p2 =	seq.s32 s10, $0x1;
	s10 =	sld [smem:$0x3FB6]  }
0x3d: {  	_ =	shalt  }
0x3e: {  	_ =	shalt  }
0x3f: {  	_ =	shalt  }
0x40: {  	_ =	shalt  }
0x41: {  	_ =	shalt  }
0x42: {  	_ =	shalt  }
0x43: {  	_ =	shalt  }
0x44: {  	_ =	shalt  }
0x45: {  	_ =	shalt  }
0x46: {  	_ =	shalt  }
0x47: {  	_ =	shalt  }
0x48: {  	_ =	shalt  }
0x49: {  	_ =	shalt  }
0x4a: {  	_ =	shalt  }
0x4b: {  	_ =	shalt  }
0x4c: {  	_ =	shalt  }
0x4d: {  	_ =	shalt  }
0x4e: {  	_ =	shalt  }
0x4f: {  	_ =	shalt  }
0x50: {  	_ =	shalt  }
0x51: {  	_ =	shalt  }
0x52: {  	_ =	shalt  }
0x53: {  	_ =	shalt  }
0x54: {  	_ =	shalt  }
0x55: {  	_ =	shalt  }
0x56: {  	_ =	shalt  }
0x57: {  	_ =	shalt  }
0x58: {  	_ =	shalt  }
0x59: {  	_ =	shalt  }
0x5a: {  	_ =	shalt  }
0x5b: {  	_ =	shalt  }
0x5c: {  	_ =	shalt  }
0x5d: {  	_ =	shalt  }
0x5e: {  	_ =	shalt  }
0x5f: {  	_ =	shalt  }
0x60: {  	_ =	shalt  }
0x61: {  	_ =	shalt  }
0x62: {  	_ =	shalt  }
0x63: {  	_ =	shalt  }
0x64: {  	_ =	shalt  }
0x65: {  	_ =	shalt  }
0x66: {  	_ =	shalt  }
0x67: {  	_ =	shalt  }
0x68: {  	_ =	shalt  }
0x69: {  	_ =	shalt  }
0x6a: {  	_ =	shalt  }
0x6b: {  	_ =	shalt  }
0x6c: {  	_ =	shalt  }
0x6d: {  	_ =	shalt  }
0x6e: {  	_ =	shalt  }
0x6f: {  	_ =	shalt  }
0x70: {  	_ =	shalt  }
0x71: {  	_ =	shalt  }
0x72: {  	_ =	shalt  }
0x73: {  	_ =	shalt  }
0x74: {  	_ =	shalt  }
0x75: {  	_ =	shalt  }
0x76: {  	_ =	shalt  }
0x77: {  	_ =	shalt  }
0x78: {  	_ =	shalt  }
0x79: {  	_ =	shalt  }
0x7a: {  	_ =	shalt  }
0x7b: {  	_ =	shalt  }
0x7c: {  	_ =	shalt  }
0x7d: {  	_ =	shalt  }
0x7e: {  	_ =	shalt  }
0x7f: {  	_ =	shalt  }
0x80: {  	_ =	shalt  }
0x81: {  	_ =	shalt  }
0x82: {  	_ =	shalt  }
0x83: {  	_ =	shalt  }
0x84: {  	_ =	shalt  }
0x85: {  	_ =	shalt  }
0x86: {  	_ =	shalt  }
0x87: {  	_ =	shalt  }
.Lfunc_end0:
.L_simem_size_0:
called_computation_lowered:
.L_overlay_start_0:
0x88: {  	s2 =	sld [smem:$0x3FD9]  }
0x89: {  	s3 =	sld [smem:$0x3FFE];
	_ =	sdelay $0x1  }
0x8a: {  	s1 =	srdreg.scid  }
0x8b: {  	s0 =	sand.u32 $0x1, s1  }
0x8c: {  	s17 =	sshll.u32 s0, $0xA;
	s2 =	sadd.s32 s3, s2  }
0x8d: {  	s2 =	sadd.s32 s2, s17  }
0x8e: {  	[smem:$0x3FC2] =	sst s2  }
0x8f: {  	_ = 	snop  }
0x90: {  	s2 =	sld [smem:$0x3FD0];
	(tm) =	ssettm $0x1  }
0x91: {  	s18 =	sld [smem:$0x3FFB];
	_ =	sdelay $0x3  }
0x92: {  	_ =	strace s18  }
0x93: {  	s3 =	sld [smem:$0x3FFC];
	_ =	sdelay $0x3  }
0x94: {  	_ =	strace s3  }
0x95: {  	s3 =	sld [smem:$0x3FFD];
	_ =	sdelay $0x3  }
0x96: {  	_ =	strace s3  }
0x97: {  	_ =	strace $0x8FFFFFFF  }
0x98: {  	s19 =	sld [smem:$0x3FDB];
	_ =	sdelay $0x1  }
0x99: {  	s4 =	simm.s32 $_scs_section_size  }
0x9a: {  	s5 =	simm.s32 $_size__tile_overlayer_lowered;
	s6 =	simm.s32 $_tile_overlayer_lowered  }
0x9b: {  	s22 =	simm.s32 $0x1BFF;
	s21 =	sshll.u32 s6, $0x1;
	s3 =	sadd.s32 s4, s19  }
0x9c: {  	s7 =	simm.s32 $0x0;
	s20 =	sshll.u32 s5, $0x1;
	s5 =	sadd.s32 s21, s3  }
0x9d: {  	[timem:s7], [sflag:s22] =	dma.local [hbm:s5], s20  }
0x9e: {  	_ =	swait.ge [sflag:s22], s20  }
0x9f: {  	s4 =	ssub.s32 $0x0, s20;
	[sflag:s22] =	ssyncset.done $0x0  }
0xa0: {  	[sflag:s22] =	ssyncadd.s32 s4;
	_ =	sdelay $0x1  }
0xa1: {  	s23 =	simm.s32 $0x1B8B  }
0xa2: {  	_ =	swait.ge [sflag:s23], $0x1  }
0xa3: {  	[sflag:s23] =	ssyncset.done $0x0  }
0xa4: {  	s25 =	simm.s32 $0x1B8E;
	s24 =	sld [smem:$0x3FFE];
	[sflag:s23] =	ssyncadd.s32 $0xFFFFFFFF  }
0xa5: {  	s26 =	simm.s32 $execute0_lowered;
	[smem:$0x3FD2] =	sst s25  }
0xa6: {  	s5 =	sshll.u32 s26, $0x1;
	_ =	strace $0x80000046;
	[dreg:$0x1] =	wrdreg $0xFFFFFFFF  }
0xa7: {  	s28 =	simm.s32 $_size_execute0_lowered;
	s3 =	sadd.s32 s3, s5;
	[dreg:$0x0] =	wrdreg $0x0  }
0xa8: {  	s5 =	sshll.u32 s28, $0x1;
	[dreg:$0x2] =	wrdreg s3  }
0xa9: {  	[dreg:$0x3] =	wrdreg s5  }
0xaa: {  	[dreg:$0x4] =	wrdreg $0xC0  }
0xab: {  	_ =	task [dreg:s7], $0x5FFFF  }
0xac: {  	[dreg:$0x1] =	wrdreg $0xFFFFFFFF  }
0xad: {  	[dreg:$0x0] =	wrdreg $0x60  }
0xae: {  	[dreg:$0x2] =	wrdreg s24  }
0xaf: {  	[dreg:$0x3] =	wrdreg s2  }
0xb0: {  	[dreg:$0x4] =	wrdreg $0x9  }
0xb1: {  	_ =	task.clear_ibuf [dreg:s7], $0x5FFFF;
	_ =	strace $0x90000046  }
0xb2: {  	s29 =	simm.s32 $0x9;
	_ =	strace $0x80000048  }
0xb3: {  	_ =	swait.ge [sflag:s29], $0x1  }
0xb4: {  	[sflag:s29] =	ssyncadd.s32 $0xFFFFFFFF  }
0xb5: {  	_ =	strace $0x90000048  }
0xb6: {  	_ =	sfence  }
0xb7: {  	s30 =	sld [smem:$0x0];
	_ =	sdelay $0x2  }
0xb8: {  	s31 =	sshll.u32 s1, $0xD;
	s1 =	sshrl.u32 s1, $0x2  }
0xb9: {  	s3 =	sand.u32 $0x4000, s31;
	s1 =	sadd.s32 s1, s30  }
0xba: {  	s0 =	sor.u32 s3, s0;
	s1 =	sshll.u32 s1, $0x11  }
0xbb: {  	s0 =	sor.u32 s1, s0  }
0xbc: {  	s0 =	sadd.s32 $0x8F2B, s0  }
0xbd: {  	[sflag:s0] =	ssyncadd.remote.s32 $0x1  }
0xbe: {  	_ =	sfence.sel $0xFFFF  }
0xbf: {  	[dreg:$0x0] =	wrdreg $0xFFFFFFFF;
	(pc) =	sbr.abs _section_cstart, $3  }
0xc0: {  	[dreg:$0x1] =	wrdreg $0xFFFFFFFF  }
0xc1: {  	_ =	task.clear_ibuf [dreg:s7], $0x2FFFF;
	_ =	strace $0x9FFFFFFF  }
0xc2: {  	(tm) =	ssettm $0x7FFFFFFF  }
0xc3: {  	_ =	shalt  }
tec
execute0_lowered:
.L_overlay_start_1:
0x0: {  	(tag) =	ssettag $0x1  }
0x1: {  	s3 =	rddreg [dreg:$0x0]  }
0x2: {  	s5 =	rddreg [dreg:$0x1]  }
0x3: {  	s0 =	rddreg [dreg:$0x2];
	s4 =	srdreg.scid  }
0x4: {  	s1 =	stileid.u32;
	s2 =	simm.s32 $0x0;
	s9 =	simm.s32 $0x10000  }
0x5: {  	s4 =	sand.u32 $0x1, s4;
	s6 =	sshll.u32 s1, $0x1;
	[smem:$0x7FF] =	sst s2  }
0x6: {  	s10 =	simm.s32 $0x0;
	s6 =	sor.u32 s4, s6;
	_ =	strace $0x80000047  }
0x7: {  	v0 =	vlaneseq.u32;
	s4 =	ssub.s32 $0x2, s4;
	s7 =	sshll.u32 s6, $0xD;
	s6 =	smul.u32 $0x1900, s6  }
0x8: {  	v0 =	vmul.u32 $0xFFFFFFFF, v0;
	s8 =	sshrl.u32 s4, $0x1;
	s7 =	sadd.s32 s7, s3;
	s3 =	sadd.s32 $0xE00, s3  }
0x9: {  	s8 =	ssub.s32 s4, s8;
	s4 =	sadd.s32 $0x1000, s7;
	s5 =	sadd.s32 s5, s6  }
0xa: {  	v0 =	vadd.s32 $0xF, v0;
	s6 =	smax.u32 s8, $0x1;
	s7 =	simm.s32 $0x1;
	s8 =	simm.s32 $0x1C880  }
.LBB2_1:
0xb: {  	[tilespmem:s2], [sflag:$0x1] =	stream.linear.gather [hbm4b:s4+s2], $0x10000, $0x38;
	[tilespmem:$0x1C900] =	vst v63  }
0xc: {  	_ =	swait.ge [sflag:s7], $0x10000  }
0xd: {  	[sflag:s7] =	ssyncset.done $0x0  }
0xe: {  	[sflag:s7] =	ssyncadd.s32 $0xFFFF0000  }
0xf: {  	[tilespmem:s8], [sflag:$0x1] =	stream.linear.gather [hbm4b:s3+s2], $0x80, $0x38;
	[tilespmem:$0x1C900] =	vst v63  }
0x10: {  	_ =	swait.ge [sflag:s7], $0x80  }
0x11: {  	[sflag:s7] =	ssyncset.done $0x0  }
0x12: {  	s11 =	simm.s32 $0x80;
	[sflag:s7] =	ssyncadd.s32 $0xFFFFFF80  }
0x13: {  	v1 =	vld [tilespmem:s11+$0xFFFFFFF0]  }
0x14: {  	v2 =	vld [tilespmem:s11+$0xFFFFFFE0]  }
0x15: {  	v3 =	vld [tilespmem:s11+$0xFFFFFFD0]  }
0x16: {  	v4 =	vld [tilespmem:s11+$0xFFFFFFB0]  }
0x17: {  	v5 =	vld [tilespmem:s11+$0xFFFFFFC0]  }
0x18: {  	v6 =	vld [tilespmem:s11+$0xFFFFFFA0];
	(xrf1) =	vsort.ascd.msk.f32 $0xffff, v1, v1  }
0x19: {  	v1 =	vld [tilespmem:s11+$0xFFFFFF90];
	(xrf1) =	vsort.ascd.msk.f32 $0xffff, v2, v2  }
0x1a: {  	(xrf1) =	vsort.ascd.msk.f32 $0xffff, v3, v3  }
0x1b: {  	v2 =	vld [tilespmem:s11+$0xFFFFFF80];
	(xrf1) =	vsort.ascd.msk.f32 $0xffff, v4, v4  }
0x1c: {  	(xrf1) =	vsort.ascd.msk.f32 $0xffff, v5, v5  }
0x1d: {  	(xrf1) =	vsort.ascd.msk.f32 $0xffff, v6, v6  }
0x1e: {  	(xrf1) =	vsort.ascd.msk.f32 $0xffff, v1, v1;
	_ =	sdelay $0x1  }
0x1f: {  	(xrf1) =	vsort.ascd.msk.f32 $0xffff, v2, v2;
	_ =	sdelay $0x5  }
0x20: {  	v1, _, _ =	vpop (xrf1)  }
0x21: {  	v1 =	vperm.xlane v1, v0;
	v2, _, _ =	vpop (xrf1)  }
0x22: {  	v3, _, _ =	vpop (xrf1)  }
0x23: {  	v3 =	vperm.xlane v3, v0;
	v4 =	vmin.f32 v2, v1;
	v5, _, _ =	vpop (xrf1)  }
0x24: {  	v1 =	vmax.f32 v2, v1;
	v2, _, _ =	vpop (xrf1);
	(xrf1) =	vsort.ascd.msk.f32 $0xffff, v4, v4;
	v4 =	vperm.xlane v5, v0  }
0x25: {  	v5 =	vmin.f32 v2, v3;
	v6, _, _ =	vpop (xrf1);
	(xrf1) =	vsort.ascd.msk.f32 $0xffff, v1, v1  }
0x26: {  	v1 =	vmax.f32 v2, v3;
	v2, _, _ =	vpop (xrf1);
	(xrf1) =	vsort.ascd.msk.f32 $0xffff, v5, v5  }
0x27: {  	v3 =	vmax.f32 v6, v4;
	v2 =	vperm.xlane v2, v0;
	(xrf1) =	vsort.ascd.msk.f32 $0xffff, v1, v1  }
0x28: {  	v1 =	vmin.f32 v6, v4;
	v4, _, _ =	vpop (xrf1);
	(xrf1) =	vsort.ascd.msk.f32 $0xffff, v3, v3  }
0x29: {  	v3 =	vmin.f32 v4, v2;
	(xrf1) =	vsort.ascd.msk.f32 $0xffff, v1, v1  }
0x2a: {  	v1 =	vmax.f32 v4, v2;
	(xrf1) =	vsort.ascd.msk.f32 $0xffff, v3, v3  }
0x2b: {  	(xrf1) =	vsort.ascd.msk.f32 $0xffff, v1, v1;
	_ =	sdelay $0x6  }
0x2c: {  	v1, _, _ =	vpop (xrf1)  }
0x2d: {  	v2, _, _ =	vpop (xrf1)  }
0x2e: {  	v2 =	vperm.xlane v2, v0;
	v3, _, _ =	vpop (xrf1)  }
0x2f: {  	v1 =	vperm.xlane v1, v0;
	v4, _, _ =	vpop (xrf1)  }
0x30: {  	v5 =	vmax.f32 v3, v2;
	v6, _, _ =	vpop (xrf1)  }
0x31: {  	v7 =	vmin.f32 v4, v1;
	v1 =	vmax.f32 v4, v1;
	v4 =	vperm.xlane v6, v0;
	v6, _, _ =	vpop (xrf1)  }
0x32: {  	v2 =	vmin.f32 v3, v2;
	v3 =	vmin.f32 v5, v1;
	v6 =	vperm.xlane v6, v0;
	v8, _, _ =	vpop (xrf1)  }
0x33: {  	v1 =	vmax.f32 v5, v1;
	(xrf1) =	vsort.ascd.msk.f32 $0xffff, v3, v3;
	v3 =	vmin.f32 v2, v7;
	v5, _, _ =	vpop (xrf1)  }
0x34: {  	(xrf1) =	vsort.ascd.msk.f32 $0xffff, v1, v1;
	v1 =	vmin.f32 v8, v4;
	v9 =	vmin.f32 v5, v6  }
0x35: {  	v4 =	vmax.f32 v8, v4;
	(xrf1) =	vsort.ascd.msk.f32 $0xffff, v3, v3;
	v8 =	vmin.f32 v1, v9  }
0x36: {  	v3 =	vmax.f32 v5, v6;
	v1 =	vmax.f32 v1, v9;
	(xrf1) =	vsort.ascd.msk.f32 $0xffff, v8, v8  }
0x37: {  	v5 =	vmax.f32 v4, v3;
	(xrf1) =	vsort.ascd.msk.f32 $0xffff, v1, v1  }
0x38: {  	v1 =	vmax.f32 v2, v7;
	(xrf1) =	vsort.ascd.msk.f32 $0xffff, v5, v5  }
0x39: {  	(xrf1) =	vsort.ascd.msk.f32 $0xffff, v1, v1  }
0x3a: {  	v1 =	vmin.f32 v4, v3  }
0x3b: {  	(xrf1) =	vsort.ascd.msk.f32 $0xffff, v1, v1;
	_ =	sdelay $0x5  }
0x3c: {  	v1, _, _ =	vpop (xrf1)  }
0x3d: {  	v2, _, _ =	vpop (xrf1)  }
0x3e: {  	v3, _, _ =	vpop (xrf1)  }
0x3f: {  	v4, _, _ =	vpop (xrf1)  }
0x40: {  	v5, _, _ =	vpop (xrf1)  }
0x41: {  	v1 =	vperm.xlane v1, v0;
	v6, _, _ =	vpop (xrf1)  }
0x42: {  	v2 =	vperm.xlane v2, v0;
	v3 =	vperm.xlane v3, v0;
	v7, _, _ =	vpop (xrf1)  }
0x43: {  	v8 =	vmax.f32 v5, v1;
	v1 =	vmin.f32 v5, v1;
	v7 =	vperm.xlane v7, v0  }
0x44: {  	v5 =	vmin.f32 v4, v2;
	v2 =	vmax.f32 v4, v2;
	v4 =	vmin.f32 v6, v3;
	v9, _, _ =	vpop (xrf1)  }
0x45: {  	v3 =	vmax.f32 v6, v3;
	v10 =	vmin.f32 v9, v7;
	v7 =	vmax.f32 v9, v7  }
0x46: {  	v9 =	vmax.f32 v1, v4;
	v1 =	vmin.f32 v1, v4;
	v6 =	vmin.f32 v5, v10  }
0x47: {  	v11 =	vmin.f32 v8, v3;
	v4 =	vmin.f32 v2, v7;
	v12 =	vmin.f32 v6, v1  }
0x48: {  	v2 =	vmax.f32 v2, v7;
	v7 =	vmin.f32 v4, v11;
	(xrf1) =	vsort.ascd.msk.f32 $0xffff, v12, v12  }
0x49: {  	v3 =	vmax.f32 v8, v3;
	v4 =	vmax.f32 v4, v11;
	(xrf1) =	vsort.ascd.msk.f32 $0xffff, v7, v7  }
0x4a: {  	v2 =	vmin.f32 v2, v3;
	(xrf1) =	vsort.ascd.msk.f32 $0xffff, v4, v4  }
0x4b: {  	(xrf1) =	vsort.ascd.msk.f32 $0xffff, v2, v2  }
0x4c: {  	v5 =	vmax.f32 v5, v10  }
0x4d: {  	v3 =	vmax.f32 v5, v9  }
0x4e: {  	v2 =	vmin.f32 v5, v9;
	(xrf1) =	vsort.ascd.msk.f32 $0xffff, v3, v3  }
0x4f: {  	v1 =	vmax.f32 v6, v1;
	(xrf1) =	vsort.ascd.msk.f32 $0xffff, v2, v2  }
0x50: {  	(xrf1) =	vsort.ascd.msk.f32 $0xffff, v1, v1;
	_ =	sdelay $0x2  }
0x51: {  	v7 =	vld [tilespmem:$0x1C880]  }
0x52: {  	v5 =	vld [tilespmem:$0x1C8C0]  }
0x53: {  	v6 =	vld [tilespmem:$0x1C8D0]  }
0x54: {  	v4 =	vld [tilespmem:$0x1C8E0];
	v2, _, _ =	vpop (xrf1)  }
0x55: {  	v3 =	vld [tilespmem:$0x1C8B0];
	v8 =	vandn.u32 $0x7F, v2;
	v9, _, _ =	vpop (xrf1)  }
0x56: {  	s13 =	simm.s32 $0xC4;
	v1 =	vld [tilespmem:$0x1C890];
	v8 =	vadd.s32 v7, v8;
	v9 =	vandn.u32 $0x7F, v9;
	v10, _, _ =	vpop (xrf1)  }
0x57: {  	v2 =	vld [tilespmem:$0x1C8A0];
	[tilespmem:s13+$0xFF3C] =	vst v8;
	v8 =	vadd.s32 v5, v9;
	v9 =	vandn.u32 $0x7F, v10;
	v10, _, _ =	vpop (xrf1)  }
0x58: {  	[tilespmem:s13+$0xFF7C] =	vst v8;
	v8 =	vadd.s32 v6, v9;
	v9 =	vandn.u32 $0x7F, v10  }
0x59: {  	[tilespmem:s13+$0xFF8C] =	vst v8;
	v8 =	vadd.s32 v4, v9  }
0x5a: {  	v10, _, _ =	vpop (xrf1)  }
0x5b: {  	v10 =	vandn.u32 $0x7F, v10;
	v9, _, _ =	vpop (xrf1)  }
0x5c: {  	v10 =	vadd.s32 v3, v10;
	[tilespmem:s13+$0xFF9C] =	vst v8;
	v9 =	vandn.u32 $0x7F, v9;
	v8, _, _ =	vpop (xrf1)  }
0x5d: {  	[tilespmem:s13+$0xFF6C] =	vst v10;
	v8 =	vandn.u32 $0x7F, v8;
	v9 =	vadd.s32 v2, v9  }
0x5e: {  	v8 =	vadd.s32 v1, v8;
	[tilespmem:s13+$0xFF5C] =	vst v9  }
0x5f: {  	[tilespmem:s13+$0xFF4C] =	vst v8  }
0x60: {  	v8 =	vld [tilespmem:s11+$0x70]  }
0x61: {  	v9 =	vld [tilespmem:s11+$0x50]  }
0x62: {  	v10 =	vld [tilespmem:s11+$0x60]  }
0x63: {  	v11 =	vld [tilespmem:s11+$0x40]  }
0x64: {  	v12 =	vld [tilespmem:s11+$0x30]  }
0x65: {  	(xrf1) =	vsort.ascd.msk.f32 $0xffff, v8, v8  }
0x66: {  	v13 =	vld [tilespmem:s11+$0x20];
	(xrf1) =	vsort.ascd.msk.f32 $0xffff, v9, v9  }
0x67: {  	(xrf1) =	vsort.ascd.msk.f32 $0xffff, v10, v10  }
0x68: {  	(xrf1) =	vsort.ascd.msk.f32 $0xffff, v11, v11  }
0x69: {  	(xrf1) =	vsort.ascd.msk.f32 $0xffff, v12, v12;
	_ =	sdelay $0x1  }
0x6a: {  	(xrf1) =	vsort.ascd.msk.f32 $0xffff, v13, v13  }
0x6b: {  	v8 =	vld [tilespmem:s11+$0x10];
	_ =	sdelay $0x1  }
0x6c: {  	v9 =	vld [tilespmem:s11+$0x0];
	_ =	sdelay $0x2  }
0x6d: {  	(xrf1) =	vsort.ascd.msk.f32 $0xffff, v8, v8;
	_ =	sdelay $0x1  }
0x6e: {  	(xrf1) =	vsort.ascd.msk.f32 $0xffff, v9, v9;
	v8, _, _ =	vpop (xrf1)  }
0x6f: {  	v8 =	vperm.xlane v8, v0;
	v9, _, _ =	vpop (xrf1)  }
0x70: {  	v10, _, _ =	vpop (xrf1)  }
0x71: {  	v9 =	vperm.xlane v9, v0;
	v11 =	vmax.f32 v10, v8;
	v12, _, _ =	vpop (xrf1);
	v8 =	vmin.f32 v10, v8  }
0x72: {  	v10, _, _ =	vpop (xrf1);
	(xrf1) =	vsort.ascd.msk.f32 $0xffff, v11, v11  }
0x73: {  	v11 =	vmin.f32 v12, v9;
	v10 =	vperm.xlane v10, v0;
	(xrf1) =	vsort.ascd.msk.f32 $0xffff, v8, v8  }
0x74: {  	v9 =	vmax.f32 v12, v9;
	v8, _, _ =	vpop (xrf1);
	(xrf1) =	vsort.ascd.msk.f32 $0xffff, v11, v11  }
0x75: {  	v12 =	vmin.f32 v8, v10;
	(xrf1) =	vsort.ascd.msk.f32 $0xffff, v9, v9  }
0x76: {  	(xrf1) =	vsort.ascd.msk.f32 $0xffff, v12, v12;
	_ =	sdelay $0x3  }
0x77: {  	v11, _, _ =	vpop (xrf1)  }
0x78: {  	v9 =	vperm.xlane v11, v0  }
0x79: {  	v8 =	vmax.f32 v8, v10;
	v10, _, _ =	vpop (xrf1)  }
0x7a: {  	(xrf1) =	vsort.ascd.msk.f32 $0xffff, v8, v8;
	v8 =	vmin.f32 v10, v9  }
0x7b: {  	v9 =	vmax.f32 v10, v9;
	_ =	sdelay $0x1  }
0x7c: {  	(xrf1) =	vsort.ascd.msk.f32 $0xffff, v8, v8;
	v8, _, _ =	vpop (xrf1)  }
0x7d: {  	(xrf1) =	vsort.ascd.msk.f32 $0xffff, v9, v9;
	v9, _, _ =	vpop (xrf1)  }
0x7e: {  	v8 =	vperm.xlane v8, v0;
	v9 =	vperm.xlane v9, v0;
	v10, _, _ =	vpop (xrf1)  }
0x7f: {  	v11, _, _ =	vpop (xrf1)  }
0x80: {  	v12 =	vmin.f32 v10, v8;
	v8 =	vmax.f32 v10, v8;
	v10 =	vmin.f32 v11, v9;
	v13, _, _ =	vpop (xrf1)  }
0x81: {  	v9 =	vmax.f32 v11, v9;
	v11 =	vperm.xlane v13, v0;
	v13 =	vmin.f32 v12, v10  }
0x82: {  	v15 =	vmax.f32 v8, v9;
	(xrf1) =	vsort.ascd.msk.f32 $0xffff, v13, v13  }
0x83: {  	(xrf1) =	vsort.ascd.msk.f32 $0xffff, v15, v15;
	_ =	sdelay $0x6  }
0x84: {  	v14, _, _ =	vpop (xrf1)  }
0x85: {  	v14 =	vperm.xlane v14, v0;
	v13, _, _ =	vpop (xrf1)  }
0x86: {  	v10 =	vmax.f32 v12, v10;
	v8 =	vmin.f32 v8, v9;
	v9, _, _ =	vpop (xrf1)  }
0x87: {  	(xrf1) =	vsort.ascd.msk.f32 $0xffff, v8, v8;
	v12 =	vmin.f32 v13, v14;
	v15 =	vmin.f32 v9, v11  }
0x88: {  	(xrf1) =	vsort.ascd.msk.f32 $0xffff, v10, v10;
	v8 =	vmax.f32 v12, v15  }
0x89: {  	v9 =	vmax.f32 v9, v11;
	(xrf1) =	vsort.ascd.msk.f32 $0xffff, v8, v8;
	v8 =	vmax.f32 v13, v14  }
0x8a: {  	v11 =	vmax.f32 v8, v9;
	v10, _, _ =	vpop (xrf1)  }
0x8b: {  	v8 =	vmin.f32 v8, v9;
	v13, _, _ =	vpop (xrf1);
	(xrf1) =	vsort.ascd.msk.f32 $0xffff, v11, v11  }
0x8c: {  	v12 =	vmin.f32 v12, v15;
	(xrf1) =	vsort.ascd.msk.f32 $0xffff, v8, v8  }
0x8d: {  	(xrf1) =	vsort.ascd.msk.f32 $0xffff, v12, v12;
	_ =	sdelay $0x7  }
0x8e: {  	v11, _, _ =	vpop (xrf1)  }
0x8f: {  	v9 =	vperm.xlane v10, v0;
	v8 =	vperm.xlane v13, v0;
	v13, _, _ =	vpop (xrf1)  }
0x90: {  	s12 =	simm.s32 $0x630;
	v10 =	vperm.xlane v11, v0;
	v11 =	vperm.xlane v13, v0;
	v12, _, _ =	vpop (xrf1)  }
.LBB2_2:
0x91: {  	p0 =	sne.s32 s12, $0x31FF0  }
0x92: {  	s11 =	sadd.s32 $0x100, s11;
	v13, _, _ =	vpop (xrf1);
	s14 =	smov.u32 s12;
	s12 =	sadd.s32 $0x320, s12  }
0x93: {  	v14 =	vmax.f32 v12, v10;
	v15 =	vmax.f32 v13, v9;
	v16, _, _ =	vpop (xrf1)  }
0x94: {  	v9 =	vmin.f32 v13, v9;
	v17 =	vmin.f32 v16, v11;
	v13 =	vmax.f32 v14, v15;
	v18, _, _ =	vpop (xrf1)  }
0x95: {  	v10 =	vmin.f32 v12, v10;
	v11 =	vmax.f32 v16, v11;
	v19 =	vmin.f32 v18, v8  }
0x96: {  	v16 =	vmax.f32 v10, v9;
	v8 =	vmax.f32 v18, v8;
	v12 =	vmax.f32 v19, v17  }
0x97: {  	v9 =	vmin.f32 v10, v9;
	v17 =	vmin.f32 v19, v17;
	v10 =	vmin.f32 v8, v11  }
0x98: {  	v14 =	vmin.f32 v14, v15;
	v15 =	vmin.f32 v17, v9;
	v9 =	vmax.f32 v17, v9  }
0x99: {  	v17 =	vmax.f32 v12, v16;
	v18 =	vmax.f32 v10, v14;
	(xrf1) =	vsort.ascd.msk.f32 $0xffff, v15, v15  }
0x9a: {  	v8 =	vmax.f32 v8, v11;
	v10 =	vmin.f32 v10, v14;
	(xrf1) =	vsort.ascd.msk.f32 $0xffff, v18, v18  }
0x9b: {  	v11 =	vmin.f32 v12, v16;
	v8 =	vmin.f32 v8, v13;
	(xrf1) =	vsort.ascd.msk.f32 $0xffff, v10, v10  }
0x9c: {  	(xrf1) =	vsort.ascd.msk.f32 $0xffff, v8, v8  }
0x9d: {  	(xrf1) =	vsort.ascd.msk.f32 $0xffff, v17, v17;
	_ =	sdelay $0x1  }
0x9e: {  	(xrf1) =	vsort.ascd.msk.f32 $0xffff, v11, v11  }
0x9f: {  	(xrf1) =	vsort.ascd.msk.f32 $0xffff, v9, v9;
	_ =	sdelay $0x6  }
0xa0: {  	v8, _, _ =	vpop (xrf1)  }
0xa1: {  	v8 =	vandn.u32 $0x7F, v8;
	v9, _, _ =	vpop (xrf1)  }
0xa2: {  	v8 =	vadd.s32 v7, v8;
	v9 =	vandn.u32 $0x7F, v9;
	v10, _, _ =	vpop (xrf1)  }
0xa3: {  	[tilespmem:s13+$0xFFA0] =	vst v8;
	v8 =	vandn.u32 $0x7F, v10;
	v9 =	vadd.s32 v6, v9;
	v10, _, _ =	vpop (xrf1)  }
0xa4: {  	v12 =	vadd.s32 v5, v8;
	[tilespmem:s13+$0xFFF0] =	vst v9;
	v9 =	vandn.u32 $0x7F, v10;
	v10, _, _ =	vpop (xrf1)  }
0xa5: {  	v10 =	vandn.u32 $0x7F, v10;
	[tilespmem:s13+$0xFFE0] =	vst v12;
	v11 =	vadd.s32 v4, v9  }
0xa6: {  	v10 =	vadd.s32 v3, v10;
	[tilespmem:s13+$0x10000] =	vst v11;
	v8, _, _ =	vpop (xrf1)  }
0xa7: {  	v8 =	vandn.u32 $0x7F, v8;
	[tilespmem:s13+$0xFFD0] =	vst v10;
	v9, _, _ =	vpop (xrf1)  }
0xa8: {  	v9 =	vandn.u32 $0x7F, v9;
	v8 =	vadd.s32 v2, v8  }
0xa9: {  	v9 =	vadd.s32 v1, v9;
	[tilespmem:s13+$0xFFC0] =	vst v8  }
0xaa: {  	[tilespmem:s13+$0xFFB0] =	vst v9  }
0xab: {  	v8 =	vld [tilespmem:s11+$0xFFFFFFF0]  }
0xac: {  	v9 =	vld [tilespmem:s11+$0xFFFFFFE0]  }
0xad: {  	v10 =	vld [tilespmem:s11+$0xFFFFFFD0]  }
0xae: {  	v11 =	vld [tilespmem:s11+$0xFFFFFFB0]  }
0xaf: {  	v12 =	vld [tilespmem:s11+$0xFFFFFFC0]  }
0xb0: {  	v13 =	vld [tilespmem:s11+$0xFFFFFFA0];
	(xrf1) =	vsort.ascd.msk.f32 $0xffff, v8, v8  }
0xb1: {  	v8 =	vld [tilespmem:s11+$0xFFFFFF90];
	(xrf1) =	vsort.ascd.msk.f32 $0xffff, v9, v9  }
0xb2: {  	(xrf1) =	vsort.ascd.msk.f32 $0xffff, v10, v10  }
0xb3: {  	v9 =	vld [tilespmem:s11+$0xFFFFFF80];
	(xrf1) =	vsort.ascd.msk.f32 $0xffff, v11, v11  }
0xb4: {  	(xrf1) =	vsort.ascd.msk.f32 $0xffff, v12, v12  }
0xb5: {  	(xrf1) =	vsort.ascd.msk.f32 $0xffff, v13, v13  }
0xb6: {  	(xrf1) =	vsort.ascd.msk.f32 $0xffff, v8, v8;
	_ =	sdelay $0x1  }
0xb7: {  	(xrf1) =	vsort.ascd.msk.f32 $0xffff, v9, v9;
	_ =	sdelay $0x5  }
0xb8: {  	v8, _, _ =	vpop (xrf1)  }
0xb9: {  	v8 =	vperm.xlane v8, v0;
	v9, _, _ =	vpop (xrf1)  }
0xba: {  	v10, _, _ =	vpop (xrf1)  }
0xbb: {  	v10 =	vperm.xlane v10, v0;
	v11 =	vmin.f32 v9, v8;
	v8 =	vmax.f32 v9, v8;
	v9, _, _ =	vpop (xrf1)  }
0xbc: {  	v9 =	vperm.xlane v9, v0;
	v12, _, _ =	vpop (xrf1);
	(xrf1) =	vsort.ascd.msk.f32 $0xffff, v11, v11  }
0xbd: {  	v11 =	vmin.f32 v12, v10;
	v10 =	vmax.f32 v12, v10;
	v12, _, _ =	vpop (xrf1);
	(xrf1) =	vsort.ascd.msk.f32 $0xffff, v8, v8  }
0xbe: {  	v8 =	vmin.f32 v12, v9;
	v9 =	vmax.f32 v12, v9;
	v12, _, _ =	vpop (xrf1);
	(xrf1) =	vsort.ascd.msk.f32 $0xffff, v11, v11  }
0xbf: {  	v11 =	vperm.xlane v12, v0;
	(xrf1) =	vsort.ascd.msk.f32 $0xffff, v10, v10  }
0xc0: {  	v10, _, _ =	vpop (xrf1);
	(xrf1) =	vsort.ascd.msk.f32 $0xffff, v9, v9  }
0xc1: {  	v9 =	vmin.f32 v10, v11;
	v10 =	vmax.f32 v10, v11;
	(xrf1) =	vsort.ascd.msk.f32 $0xffff, v8, v8  }
0xc2: {  	(xrf1) =	vsort.ascd.msk.f32 $0xffff, v9, v9  }
0xc3: {  	(xrf1) =	vsort.ascd.msk.f32 $0xffff, v10, v10;
	_ =	sdelay $0x6  }
0xc4: {  	v8, _, _ =	vpop (xrf1)  }
0xc5: {  	v9, _, _ =	vpop (xrf1)  }
0xc6: {  	v8 =	vperm.xlane v8, v0;
	v9 =	vperm.xlane v9, v0;
	v10, _, _ =	vpop (xrf1)  }
0xc7: {  	v11, _, _ =	vpop (xrf1)  }
0xc8: {  	v15 =	vmax.f32 v10, v9;
	v13 =	vmin.f32 v11, v8;
	v8 =	vmax.f32 v11, v8;
	v11, _, _ =	vpop (xrf1)  }
0xc9: {  	v9 =	vmin.f32 v10, v9;
	v11 =	vperm.xlane v11, v0;
	v10 =	vmin.f32 v15, v8;
	v14, _, _ =	vpop (xrf1)  }
0xca: {  	v8 =	vmax.f32 v15, v8;
	v14 =	vperm.xlane v14, v0;
	v12, _, _ =	vpop (xrf1);
	(xrf1) =	vsort.ascd.msk.f32 $0xffff, v10, v10  }
0xcb: {  	v15 =	vmin.f32 v9, v13;
	v10 =	vmax.f32 v12, v11;
	v16, _, _ =	vpop (xrf1);
	(xrf1) =	vsort.ascd.msk.f32 $0xffff, v8, v8  }
0xcc: {  	v8 =	vmin.f32 v12, v11;
	v11 =	vmin.f32 v16, v14;
	v12 =	vmax.f32 v16, v14  }
0xcd: {  	v14 =	vmin.f32 v8, v11;
	v8 =	vmax.f32 v8, v11;
	(xrf1) =	vsort.ascd.msk.f32 $0xffff, v15, v15  }
0xce: {  	v9 =	vmax.f32 v9, v13;
	v11 =	vmin.f32 v10, v12;
	(xrf1) =	vsort.ascd.msk.f32 $0xffff, v14, v14  }
0xcf: {  	v10 =	vmax.f32 v10, v12;
	(xrf1) =	vsort.ascd.msk.f32 $0xffff, v8, v8  }
0xd0: {  	(xrf1) =	vsort.ascd.msk.f32 $0xffff, v10, v10  }
0xd1: {  	(xrf1) =	vsort.ascd.msk.f32 $0xffff, v9, v9;
	_ =	sdelay $0x1  }
0xd2: {  	(xrf1) =	vsort.ascd.msk.f32 $0xffff, v11, v11;
	_ =	sdelay $0x4  }
0xd3: {  	v8, _, _ =	vpop (xrf1)  }
0xd4: {  	v8 =	vperm.xlane v8, v0;
	v9, _, _ =	vpop (xrf1);
	_ =	sdelay $0x1  }
0xd5: {  	v10, _, _ =	vpop (xrf1)  }
0xd6: {  	v11, _, _ =	vpop (xrf1)  }
0xd7: {  	v12, _, _ =	vpop (xrf1)  }
0xd8: {  	v13 =	vmax.f32 v12, v8;
	v14, _, _ =	vpop (xrf1)  }
0xd9: {  	v9 =	vperm.xlane v9, v0;
	v10 =	vperm.xlane v10, v0;
	v15, _, _ =	vpop (xrf1)  }
0xda: {  	v8 =	vmin.f32 v12, v8;
	v15 =	vperm.xlane v15, v0  }
0xdb: {  	v12 =	vmin.f32 v11, v9;
	v9 =	vmax.f32 v11, v9;
	v11 =	vmin.f32 v14, v10;
	v16, _, _ =	vpop (xrf1)  }
0xdc: {  	v17 =	vmin.f32 v16, v15;
	v15 =	vmax.f32 v16, v15;
	v16 =	vmax.f32 v8, v11  }
0xdd: {  	v10 =	vmax.f32 v14, v10;
	v14 =	vmin.f32 v9, v15;
	v9 =	vmax.f32 v9, v15  }
0xde: {  	v18 =	vmin.f32 v13, v10;
	v10 =	vmax.f32 v13, v10;
	v15 =	vmax.f32 v12, v17  }
0xdf: {  	v8 =	vmin.f32 v8, v11;
	v12 =	vmin.f32 v12, v17;
	v11 =	vmin.f32 v15, v16  }
0xe0: {  	v13 =	vmin.f32 v12, v8;
	v8 =	vmax.f32 v12, v8;
	v12 =	vmax.f32 v15, v16  }
0xe1: {  	v15 =	vmin.f32 v14, v18;
	v14 =	vmax.f32 v14, v18;
	(xrf1) =	vsort.ascd.msk.f32 $0xffff, v13, v13  }
0xe2: {  	v9 =	vmin.f32 v9, v10;
	(xrf1) =	vsort.ascd.msk.f32 $0xffff, v15, v15  }
0xe3: {  	(xrf1) =	vsort.ascd.msk.f32 $0xffff, v14, v14  }
0xe4: {  	(xrf1) =	vsort.ascd.msk.f32 $0xffff, v9, v9  }
0xe5: {  	(xrf1) =	vsort.ascd.msk.f32 $0xffff, v12, v12  }
0xe6: {  	(xrf1) =	vsort.ascd.msk.f32 $0xffff, v11, v11  }
0xe7: {  	(xrf1) =	vsort.ascd.msk.f32 $0xffff, v8, v8;
	_ =	sdelay $0x7  }
0xe8: {  	v8, _, _ =	vpop (xrf1)  }
0xe9: {  	v8 =	vandn.u32 $0x7F, v8;
	v9, _, _ =	vpop (xrf1)  }
0xea: {  	s13 =	sshra.s32 s14, $0x2;
	v8 =	vadd.s32 v7, v8;
	v9 =	vandn.u32 $0x7F, v9;
	v10, _, _ =	vpop (xrf1)  }
0xeb: {  	[tilespmem:s13+$0xFF3C] =	vst v8;
	v8 =	vadd.s32 v5, v9;
	v12 =	vandn.u32 $0x7F, v10;
	v10, _, _ =	vpop (xrf1)  }
0xec: {  	[tilespmem:s13+$0xFF7C] =	vst v8;
	v12 =	vadd.s32 v6, v12;
	v11 =	vandn.u32 $0x7F, v10;
	v10, _, _ =	vpop (xrf1)  }
0xed: {  	v10 =	vandn.u32 $0x7F, v10;
	[tilespmem:s13+$0xFF8C] =	vst v12;
	v11 =	vadd.s32 v4, v11;
	v9, _, _ =	vpop (xrf1)  }
0xee: {  	v9 =	vandn.u32 $0x7F, v9;
	v10 =	vadd.s32 v3, v10;
	[tilespmem:s13+$0xFF9C] =	vst v11;
	v8, _, _ =	vpop (xrf1)  }
0xef: {  	v8 =	vandn.u32 $0x7F, v8;
	v9 =	vadd.s32 v2, v9;
	[tilespmem:s13+$0xFF6C] =	vst v10  }
0xf0: {  	v8 =	vadd.s32 v1, v8;
	[tilespmem:s13+$0xFF5C] =	vst v9  }
0xf1: {  	[tilespmem:s13+$0xFF4C] =	vst v8  }
0xf2: {  	v8 =	vld [tilespmem:s11+$0x70]  }
0xf3: {  	v9 =	vld [tilespmem:s11+$0x50]  }
0xf4: {  	v10 =	vld [tilespmem:s11+$0x60]  }
0xf5: {  	v11 =	vld [tilespmem:s11+$0x40]  }
0xf6: {  	v12 =	vld [tilespmem:s11+$0x30]  }
0xf7: {  	v13 =	vld [tilespmem:s11+$0x20];
	(xrf1) =	vsort.ascd.msk.f32 $0xffff, v8, v8  }
0xf8: {  	v8 =	vld [tilespmem:s11+$0x10];
	(xrf1) =	vsort.ascd.msk.f32 $0xffff, v9, v9  }
0xf9: {  	v9 =	vld [tilespmem:s11+$0x0];
	(xrf1) =	vsort.ascd.msk.f32 $0xffff, v10, v10  }
0xfa: {  	(xrf1) =	vsort.ascd.msk.f32 $0xffff, v11, v11  }
0xfb: {  	(xrf1) =	vsort.ascd.msk.f32 $0xffff, v12, v12;
	_ =	sdelay $0x1  }
0xfc: {  	(xrf1) =	vsort.ascd.msk.f32 $0xffff, v13, v13  }
0xfd: {  	(xrf1) =	vsort.ascd.msk.f32 $0xffff, v8, v8;
	_ =	sdelay $0x1  }
0xfe: {  	(xrf1) =	vsort.ascd.msk.f32 $0xffff, v9, v9;
	_ =	sdelay $0x4  }
0xff: {  	v8, _, _ =	vpop (xrf1)  }
0x100: {  	v8 =	vperm.xlane v8, v0;
	v9, _, _ =	vpop (xrf1)  }
0x101: {  	v9 =	vperm.xlane v9, v0;
	v10, _, _ =	vpop (xrf1)  }
0x102: {  	v11 =	vmin.f32 v10, v8;
	v8 =	vmax.f32 v10, v8;
	v10, _, _ =	vpop (xrf1)  }
0x103: {  	v12 =	vmin.f32 v10, v9;
	v9 =	vmax.f32 v10, v9;
	v10, _, _ =	vpop (xrf1);
	(xrf1) =	vsort.ascd.msk.f32 $0xffff, v8, v8  }
0x104: {  	v8 =	vperm.xlane v10, v0;
	(xrf1) =	vsort.ascd.msk.f32 $0xffff, v11, v11  }
0x105: {  	v10, _, _ =	vpop (xrf1);
	(xrf1) =	vsort.ascd.msk.f32 $0xffff, v12, v12  }
0x106: {  	v11 =	vmin.f32 v10, v8;
	v8 =	vmax.f32 v10, v8;
	v10, _, _ =	vpop (xrf1);
	(xrf1) =	vsort.ascd.msk.f32 $0xffff, v9, v9  }
0x107: {  	v9 =	vperm.xlane v10, v0;
	(xrf1) =	vsort.ascd.msk.f32 $0xffff, v11, v11  }
0x108: {  	v10, _, _ =	vpop (xrf1);
	(xrf1) =	vsort.ascd.msk.f32 $0xffff, v8, v8  }
0x109: {  	v8 =	vmin.f32 v10, v9;
	v9 =	vmax.f32 v10, v9  }
0x10a: {  	(xrf1) =	vsort.ascd.msk.f32 $0xffff, v8, v8  }
0x10b: {  	(xrf1) =	vsort.ascd.msk.f32 $0xffff, v9, v9;
	_ =	sdelay $0x5  }
0x10c: {  	v8, _, _ =	vpop (xrf1)  }
0x10d: {  	v8 =	vperm.xlane v8, v0;
	v9, _, _ =	vpop (xrf1)  }
0x10e: {  	v9 =	vperm.xlane v9, v0;
	v10, _, _ =	vpop (xrf1)  }
0x10f: {  	v11 =	vmin.f32 v10, v8;
	v8 =	vmax.f32 v10, v8;
	v10, _, _ =	vpop (xrf1)  }
0x110: {  	v14 =	vmin.f32 v10, v9;
	v9 =	vmax.f32 v10, v9;
	v10, _, _ =	vpop (xrf1)  }
0x111: {  	v10 =	vperm.xlane v10, v0;
	v13 =	vmin.f32 v11, v14;
	v11 =	vmax.f32 v11, v14;
	v12, _, _ =	vpop (xrf1)  }
0x112: {  	v14 =	vmax.f32 v8, v9;
	v15 =	vperm.xlane v12, v0;
	(xrf1) =	vsort.ascd.msk.f32 $0xffff, v13, v13  }
0x113: {  	v8 =	vmin.f32 v8, v9;
	v9, _, _ =	vpop (xrf1)  }
0x114: {  	v13 =	vmin.f32 v9, v15;
	v9 =	vmax.f32 v9, v15;
	v12, _, _ =	vpop (xrf1);
	(xrf1) =	vsort.ascd.msk.f32 $0xffff, v14, v14  }
0x115: {  	v14 =	vmin.f32 v12, v10;
	v10 =	vmax.f32 v12, v10;
	(xrf1) =	vsort.ascd.msk.f32 $0xffff, v8, v8  }
0x116: {  	v8 =	vmax.f32 v13, v14;
	v12 =	vmax.f32 v9, v10;
	(xrf1) =	vsort.ascd.msk.f32 $0xffff, v11, v11  }
0x117: {  	v11 =	vmin.f32 v13, v14;
	v9 =	vmin.f32 v9, v10;
	(xrf1) =	vsort.ascd.msk.f32 $0xffff, v8, v8  }
0x118: {  	(xrf1) =	vsort.ascd.msk.f32 $0xffff, v12, v12  }
0x119: {  	(xrf1) =	vsort.ascd.msk.f32 $0xffff, v9, v9  }
0x11a: {  	(xrf1) =	vsort.ascd.msk.f32 $0xffff, v11, v11;
	_ =	sdelay $0x5  }
0x11b: {  	v8, _, _ =	vpop (xrf1)  }
.Ltmp0:
0x11c: {  	v9 =	vperm.xlane v8, v0;
	(pc) =	sbr.rel @p0 .LBB2_2-.Ltmp0, $4  }
0x11d: {  	v8, _, _ =	vpop (xrf1)  }
0x11e: {  	v8 =	vperm.xlane v8, v0;
	v10, _, _ =	vpop (xrf1)  }
0x11f: {  	v10 =	vperm.xlane v10, v0;
	v11, _, _ =	vpop (xrf1)  }
0x120: {  	v11 =	vperm.xlane v11, v0;
	v12, _, _ =	vpop (xrf1)  }
0x121: {  	v13, _, _ =	vpop (xrf1)  }
0x122: {  	v14 =	vmax.f32 v12, v10;
	v43 =	vmin.f32 v12, v10;
	v16, _, _ =	vpop (xrf1)  }
0x123: {  	v15 =	vmax.f32 v13, v9;
	v41 =	vmin.f32 v13, v9;
	v17 =	vmin.f32 v16, v11;
	v18, _, _ =	vpop (xrf1)  }
0x124: {  	v42 =	vmax.f32 v14, v15;
	v44 =	vmax.f32 v16, v11;
	v19 =	vmin.f32 v18, v8  }
0x125: {  	v47 =	vmin.f32 v43, v41;
	v45 =	vmax.f32 v18, v8;
	v46 =	vmin.f32 v19, v17  }
0x126: {  	v14 =	vmin.f32 v14, v15;
	v18 =	vmin.f32 v45, v44;
	v48 =	vmin.f32 v46, v47  }
0x127: {  	v9 =	vmax.f32 v43, v41;
	v49 =	vmax.f32 v18, v14;
	(xrf1) =	vsort.ascd.msk.f32 $0xffff, v48, v48  }
0x128: {  	v8 =	vmax.f32 v45, v44;
	v50 =	vmin.f32 v18, v14;
	(xrf1) =	vsort.ascd.msk.f32 $0xffff, v49, v49  }
0x129: {  	v17 =	vmax.f32 v19, v17;
	v8 =	vmin.f32 v8, v42;
	(xrf1) =	vsort.ascd.msk.f32 $0xffff, v50, v50  }
0x12a: {  	v10 =	vmax.f32 v17, v9;
	(xrf1) =	vsort.ascd.msk.f32 $0xffff, v8, v8  }
0x12b: {  	v51 =	vmin.f32 v17, v9;
	(xrf1) =	vsort.ascd.msk.f32 $0xffff, v10, v10  }
0x12c: {  	v52 =	vmax.f32 v46, v47;
	(xrf1) =	vsort.ascd.msk.f32 $0xffff, v51, v51  }
0x12d: {  	(xrf1) =	vsort.ascd.msk.f32 $0xffff, v52, v52;
	_ =	sdelay $0x7  }
0x12e: {  	v53, _, _ =	vpop (xrf1)  }
0x12f: {  	v8 =	vandn.u32 $0x7F, v53;
	v54, _, _ =	vpop (xrf1)  }
0x130: {  	v7 =	vadd.s32 v7, v8;
	v55 =	vandn.u32 $0x7F, v54;
	v56, _, _ =	vpop (xrf1)  }
0x131: {  	[tilespmem:s13+$0xFFA0] =	vst v7;
	v57 =	vandn.u32 $0x7F, v56;
	v6 =	vadd.s32 v6, v55;
	v58, _, _ =	vpop (xrf1)  }
0x132: {  	v5 =	vadd.s32 v5, v57;
	[tilespmem:s13+$0xFFF0] =	vst v6;
	v59 =	vandn.u32 $0x7F, v58;
	v60, _, _ =	vpop (xrf1)  }
0x133: {  	v7 =	vandn.u32 $0x7F, v60;
	[tilespmem:s13+$0xFFE0] =	vst v5;
	v4 =	vadd.s32 v4, v59;
	v61, _, _ =	vpop (xrf1)  }
0x134: {  	v3 =	vadd.s32 v3, v7;
	[tilespmem:s13+$0x10000] =	vst v4;
	v62 =	vandn.u32 $0x7F, v61;
	v63, _, _ =	vpop (xrf1)  }
0x135: {  	s10 =	sadd.s32 $0x1, s10;
	[tilespmem:s13+$0xFFD0] =	vst v3;
	v3 =	vandn.u32 $0x7F, v63;
	v2 =	vadd.s32 v2, v62  }
0x136: {  	p0 =	sne.s32 s10, s6;
	v1 =	vadd.s32 v1, v3;
	[tilespmem:s13+$0xFFC0] =	vst v2  }
.Ltmp1:
0x137: {  	[tilespmem:s13+$0xFFB0] =	vst v1;
	(pc) =	sbr.rel @p0 .LBB2_1-.Ltmp1, $4  }
0x138: {  	[hbm4b:s5+s2] =	stream.linear.scatter [tilespmem:s9], [sflag:$0x1], $0xC800, $0x38;
	[tilespmem:$0x1C900] =	vst v63  }
0x139: {  	_ =	swait.ge [sflag:s7], $0xC800  }
0x13a: {  	[sflag:s7] =	ssyncset.done $0x0  }
0x13b: {  	[sflag:s7] =	ssyncadd.s32 $0xFFFF3800  }
0x13c: {  	_ =	sfence.sel $0x180000  }
0x13d: {  	[bflag:$0x0] =	sbarrier.arrive $0xFFFF  }
0x13e: {  	p0 =	sne.s32 s1, $0x0;
	_ =	strace $0x90000047  }
0x13f: {  	s0 =	sadd.s32 @!p0 $0x100000, s0;
	[bflag:$0x2] =	sbarrier.arrive $0xFFFF  }
0x140: {  	[sflag:s0] =	ssyncadd.tile.s32 @!p0 $0x1;
	_ =	shalt  }
.Lfunc_end2:
_tile_overlayer_lowered:
.L_overlay_start_2:
0x141: {  	(tag) =	ssettag $0x2  }
0x142: {  	s0 =	rddreg [dreg:$0x0];
	s2 =	stileid.u32  }
0x143: {  	s1 =	rddreg [dreg:$0x1];
	p0 =	sne.s32 s2, $0x0  }
0x144: {  	s3 =	rddreg [dreg:$0x2];
	[bflag:$0x3] =	sbarrier.arrive $0xFFFF;
	s2 =	simm.s32 @!p0 $0x1C01  }
0x145: {  	[timem:s3], [sflag:s2] =	dma.local @!p0 [hbm:s0], s1  }
0x146: {  	s0 =	simm.s32 @!p0 $0x1  }
0x147: {  	_ =	swait.ge @!p0 [sflag:s0], s1  }
0x148: {  	s1 =	ssub.s32 @!p0 $0x0, s1;
	[sflag:s0] =	ssyncset.done @!p0 $0x0  }
0x149: {  	[sflag:s0] =	ssyncadd.s32 @!p0 s1  }
0x14a: {  	[bflag:$0x3] =	sbarrier.arrive $0xFFFF  }
0x14b: {  	_ =	shalt  }

</sc_bundles>
